<compile_context>
chip_gen: v7x
topology: tpu7x:2x2x1
jax: 0.10.2.dev20260603
libtpu: 0.0.44.dev20260713+nightly
codegen_flags: <defaults>
</compile_context>

<pallas_src>
import jax
import jax.numpy as jnp
from jax import lax
from jax.experimental import pallas as pl
from jax.experimental.pallas import tpu as pltpu
from jax.experimental.pallas import tpu_sc as plsc

_N = 1000
_B = 16384
_L = 16
_NPAD = 1024
_NSUB = 16
_BPW = _B // _NSUB


def _lane_allreduce(v, op):
    dnums = lax.GatherDimensionNumbers(
        offset_dims=(), collapsed_slice_dims=(0,), start_index_map=(0,))
    for sh in (8, 4, 2, 1):
        perm = lax.iota(jnp.int32, _L) ^ sh
        shuf = lax.gather(v, perm[:, None], dimension_numbers=dnums,
                          slice_sizes=(1,),
                          mode=lax.GatherScatterMode.PROMISE_IN_BOUNDS)
        v = op(v, shuf)
    return v


def _sc_body(loss_hbm, id_hbm, w_hbm, out_hbm,
             wexp_v, loss_v, id_v, red_v, stage_v, part_sh,
             sem_w, sem_l, sem_i):
    cid = lax.axis_index("c")
    sid = lax.axis_index("s")

    base = sid * _BPW
    cp_w = pltpu.async_copy(w_hbm, wexp_v.at[pl.ds(0, _N)], sem_w)
    cp_l = pltpu.async_copy(loss_hbm.at[pl.ds(base, _BPW)], loss_v, sem_l)
    cp_i = pltpu.async_copy(id_hbm.at[pl.ds(base, _BPW)], id_v, sem_i)

    zero = jnp.zeros((_L,), jnp.float32)

    @pl.when(sid == 0)
    def _zero_acc():
        stage_v[...] = zero
        pltpu.sync_copy(stage_v, part_sh)
    plsc.subcore_barrier()

    cp_w.wait()

    neg = jnp.full((_L,), -jnp.inf, jnp.float32)
    tail = wexp_v[pl.ds(_NPAD - 2 * _L, _L)]
    lane = lax.iota(jnp.int32, _L)
    wexp_v[pl.ds(_NPAD - 2 * _L, _L)] = jnp.where(lane < (_N % _L), tail, neg)
    wexp_v[pl.ds(_NPAD - _L, _L)] = neg

    nv = _NPAD // _L

    @plsc.parallel_loop(0, nv, step=4, unroll=2, carry=(neg, neg, neg, neg))
    def ms(j, c):
        return tuple(
            jnp.maximum(c[k], wexp_v[pl.ds((j + k) * _L, _L)])
            for k in range(4))
    m = jnp.maximum(jnp.maximum(ms[0], ms[1]), jnp.maximum(ms[2], ms[3]))
    wmax = _lane_allreduce(m, jnp.maximum)

    cp_l.wait()
    cp_i.wait()

    @plsc.parallel_loop(0, nv, step=4, unroll=2, carry=(zero,) * 8)
    def fused(j, c):
        out = []
        for k in range(4):
            e = jnp.exp(wexp_v[pl.ds((j + k) * _L, _L)] - wmax)
            out.append(c[k] + e)
        for k in range(4):
            idx = id_v[pl.ds((j + k) * _L, _L)]
            g = plsc.load_gather(wexp_v, [idx])
            ge = jnp.exp(g - wmax)
            out.append(c[4 + k] + ge * loss_v[pl.ds((j + k) * _L, _L)])
        return tuple(out)
    ssum = (fused[0] + fused[1]) + (fused[2] + fused[3])
    s_total = _lane_allreduce(ssum, jnp.add)
    acc = (fused[4] + fused[5]) + (fused[6] + fused[7])

    stage_v[...] = acc
    pltpu.sync_copy(stage_v, part_sh.at[lax.iota(jnp.int32, _L)], add=True)
    plsc.subcore_barrier()

    @pl.when(jnp.logical_and(sid == 0, cid == 0))
    def _finalize():
        pltpu.sync_copy(part_sh, red_v)
        total = _lane_allreduce(red_v[...], jnp.add)
        final = total * (jnp.float32(_N) / jnp.float32(_B)) / s_total
        stage_v[...] = final
        pltpu.sync_copy(stage_v.at[pl.ds(0, 1)], out_hbm)


@jax.jit
def _sc_call(loss, ls_id, w_pad):
    mesh = plsc.VectorSubcoreMesh(core_axis_name="c", subcore_axis_name="s",
                                  num_cores=1)
    kfn = pl.kernel(
        _sc_body,
        out_type=jax.ShapeDtypeStruct((1,), jnp.float32),
        mesh=mesh,
        compiler_params=pltpu.CompilerParams(needs_layout_passes=False),
        scratch_types=[
            pltpu.VMEM((_NPAD,), jnp.float32),
            pltpu.VMEM((_BPW,), jnp.float32),
            pltpu.VMEM((_BPW,), jnp.int32),
            pltpu.VMEM((_L,), jnp.float32),
            pltpu.VMEM((_L,), jnp.float32),
            pltpu.VMEM_SHARED((_L,), jnp.float32),
            pltpu.SemaphoreType.DMA,
            pltpu.SemaphoreType.DMA,
            pltpu.SemaphoreType.DMA,
        ],
    )
    return kfn(loss, ls_id, w_pad)


def kernel(loss, ls_id, weight):
    out = _sc_call(loss.astype(jnp.float32), ls_id.astype(jnp.int32),
                   weight.astype(jnp.float32))
    return out.reshape(())

# --- scband reference (transcript-rebuilt; emitter-appended) ---
"""Pipeline reference for scband-data-selection-5317169512476 (READ-ONLY COPY).

The authoritative reference and input builder live on the scoring server;
editing this copy changes nothing except your own understanding.
"""

import jax, jax.numpy as jnp
import numpy as np

N = 1000
B = 16384


def setup_inputs(seed: int = 0) -> dict:
    key = jax.random.key(seed)
    k1, k2 = jax.random.split(key)
    loss = jax.random.normal(k1, (B,), dtype=jnp.float32)
    ls_id = jax.random.randint(k2, (B,), 0, N)
    # learned parameter: per-example weight logits, initialized to 1/len(data)
    weight = jnp.ones((N,), dtype=jnp.float32) * (1.0 / N)
    return {"loss": loss, "ls_id": ls_id, "weight": weight}


def reference(loss, ls_id, weight):
    # weight_logits = self.weight; weight = softmax(logits) * len(data)
    w = jax.nn.softmax(weight, axis=0) * N
    # gather per-example weights and compute weighted mean loss
    gathered = jnp.take(w, ls_id, axis=0)
    return (gathered * loss).mean()

if __name__ == "__main__":
    import jax
    _d = setup_inputs()
    print(jax.jit(kernel)(*tuple(_d.values())))

</pallas_src>

<mosaic_0001>
#map = affine_map<(d0, d1) -> (0)>
module attributes {stable_mosaic.version = 14 : i64} {
  func.func @_sc_body(%arg0: i32, %arg1: i32, %arg2: memref<16384xf32, #tpu.memory_space<hbm>>, %arg3: memref<16384xi32, #tpu.memory_space<hbm>>, %arg4: memref<1000xf32, #tpu.memory_space<hbm>>, %arg5: memref<1xf32, #tpu.memory_space<hbm>>, %arg6: memref<1024xf32, #tpu.memory_space<vmem>>, %arg7: memref<1024xf32, #tpu.memory_space<vmem>>, %arg8: memref<1024xi32, #tpu.memory_space<vmem>>, %arg9: memref<16xf32, #tpu.memory_space<vmem>>, %arg10: memref<16xf32, #tpu.memory_space<vmem>>, %arg11: memref<16xf32, #tpu.memory_space<vmem_shared>>, %arg12: memref<!tpu.dma_semaphore, #tpu.memory_space<semaphore_mem>>, %arg13: memref<!tpu.dma_semaphore, #tpu.memory_space<semaphore_mem>>, %arg14: memref<!tpu.dma_semaphore, #tpu.memory_space<semaphore_mem>>) attributes {dimension_semantics = [#tpu.dimension_semantics<core_parallel>, #tpu.dimension_semantics<subcore_parallel>], iteration_bounds = array<i64: 1, 16>, scalar_prefetch = 0 : i64, scratch_operands = 9 : i64, tpu.core_type = #tpu.core_type<sc_vector_subcore>, window_params = [{transform_indices = #map}, {transform_indices = #map}, {transform_indices = #map}, {transform_indices = #map}]} {
    %mul3A = arith.constant 1024 : i32
    %mul3A_0 = arith.muli %arg1, %mul3A : i32
    %dma_start3A = arith.constant 0 : i32
    %dma_start3A_1 = tpu.memref_slice %arg6[%dma_start3A] : memref<1024xf32, #tpu.memory_space<vmem>> -> memref<1000xf32, #tpu.memory_space<vmem>>
    %dma_start3A_2 = arith.constant 0 : i32
    %dma_start3A_3 = tpu.memref_slice %arg6[%dma_start3A_2] : memref<1024xf32, #tpu.memory_space<vmem>> -> memref<1000xf32, #tpu.memory_space<vmem>>
    tpu.enqueue_dma source(%arg4 : memref<1000xf32, #tpu.memory_space<hbm>>) target(%dma_start3A_3 : memref<1000xf32, #tpu.memory_space<vmem>>) target_semaphore(%arg12 : memref<!tpu.dma_semaphore, #tpu.memory_space<semaphore_mem>>)
    %dma_start3A_4 = tpu.memref_slice %arg2[%mul3A_0] : memref<16384xf32, #tpu.memory_space<hbm>> -> memref<1024xf32, #tpu.memory_space<hbm>>
    %dma_start3A_5 = tpu.memref_slice %arg2[%mul3A_0] : memref<16384xf32, #tpu.memory_space<hbm>> -> memref<1024xf32, #tpu.memory_space<hbm>>
    tpu.enqueue_dma source(%dma_start3A_5 : memref<1024xf32, #tpu.memory_space<hbm>>) target(%arg7 : memref<1024xf32, #tpu.memory_space<vmem>>) target_semaphore(%arg13 : memref<!tpu.dma_semaphore, #tpu.memory_space<semaphore_mem>>)
    %dma_start3A_6 = tpu.memref_slice %arg3[%mul3A_0] : memref<16384xi32, #tpu.memory_space<hbm>> -> memref<1024xi32, #tpu.memory_space<hbm>>
    %dma_start3A_7 = tpu.memref_slice %arg3[%mul3A_0] : memref<16384xi32, #tpu.memory_space<hbm>> -> memref<1024xi32, #tpu.memory_space<hbm>>
    tpu.enqueue_dma source(%dma_start3A_7 : memref<1024xi32, #tpu.memory_space<hbm>>) target(%arg8 : memref<1024xi32, #tpu.memory_space<vmem>>) target_semaphore(%arg14 : memref<!tpu.dma_semaphore, #tpu.memory_space<semaphore_mem>>)
    %broadcast_in_dim3A = arith.constant 0.000000e+00 : f32
    %broadcast_in_dim3A_8 = vector.broadcast %broadcast_in_dim3A : f32 to vector<16xf32>
    %eq3A = arith.constant 0 : i32
    %eq3A_9 = arith.cmpi eq, %arg1, %eq3A : i32
    %convert_element_type3A = arith.extui %eq3A_9 : i1 to i32
    %cond3A = arith.constant 0 : i32
    %cond3A_10 = arith.cmpi ne, %convert_element_type3A, %cond3A : i32
    scf.if %cond3A_10 {
      %swap3A_113 = arith.constant 0 : index
      %swap3A_114 = tpu.vector_load %arg10[%swap3A_113] {strides = array<i32>} : memref<16xf32, #tpu.memory_space<vmem>>, vector<16xf32>,
      tpu.vector_store %arg10[%swap3A_113], %broadcast_in_dim3A_8 {strides = array<i32>} : memref<16xf32, #tpu.memory_space<vmem>>, vector<16xf32>,
      "tpu.region"() ({
        %run_scoped3A = tpu.sem_alloc : memref<!tpu.dma_semaphore, #tpu.memory_space<semaphore_mem>>
        tpu.enqueue_dma source(%arg10 : memref<16xf32, #tpu.memory_space<vmem>>) target(%arg11 : memref<16xf32, #tpu.memory_space<vmem_shared>>) target_semaphore(%run_scoped3A : memref<!tpu.dma_semaphore, #tpu.memory_space<semaphore_mem>>)
        tpu.wait_dma2 semaphore(%run_scoped3A : memref<!tpu.dma_semaphore, #tpu.memory_space<semaphore_mem>>) src(%arg10 : memref<16xf32, #tpu.memory_space<vmem>>) dst(%arg11 : memref<16xf32, #tpu.memory_space<vmem_shared>>)
        tpu.yield
      }) : () -> ()
    } else {
    }
    %barrier3A = arith.constant 0 : index
    tpu.barrier barrier_id(%barrier3A)
    %dma_wait3A = arith.constant 0 : i32
    %dma_wait3A_11 = tpu.memref_slice %arg6[%dma_wait3A] : memref<1024xf32, #tpu.memory_space<vmem>> -> memref<1000xf32, #tpu.memory_space<vmem>>
    %dma_wait3A_12 = arith.constant 0 : i32
    %dma_wait3A_13 = tpu.memref_slice %arg6[%dma_wait3A_12] : memref<1024xf32, #tpu.memory_space<vmem>> -> memref<1000xf32, #tpu.memory_space<vmem>>
    tpu.wait_dma2 semaphore(%arg12 : memref<!tpu.dma_semaphore, #tpu.memory_space<semaphore_mem>>) src(%arg4 : memref<1000xf32, #tpu.memory_space<hbm>>) dst(%dma_wait3A_13 : memref<1000xf32, #tpu.memory_space<vmem>>)
    %broadcast_in_dim3A_14 = arith.constant 0xFF800000 : f32
    %broadcast_in_dim3A_15 = vector.broadcast %broadcast_in_dim3A_14 : f32 to vector<16xf32>
    %get3A = arith.constant 992 : index
    %get3A_16 = tpu.vector_load %arg6[%get3A] {strides = array<i32>} : memref<1024xf32, #tpu.memory_space<vmem>>, vector<16xf32>,
    %iota3A = tpu.iota {dimensions = array<i32: 0>} : vector<16xi32>
    %lt3A = arith.constant 8 : i32
    %lt3A_17 = vector.broadcast %lt3A : i32 to vector<16xi32>
    %lt3A_18 = arith.cmpi slt, %iota3A, %lt3A_17 : vector<16xi32>
    %select_n3A = arith.select %lt3A_18, %get3A_16, %broadcast_in_dim3A_15 : vector<16xi1>, vector<16xf32>
    %swap3A = arith.constant 992 : index
    %swap3A_19 = tpu.vector_load %arg6[%swap3A] {strides = array<i32>} : memref<1024xf32, #tpu.memory_space<vmem>>, vector<16xf32>,
    tpu.vector_store %arg6[%swap3A], %select_n3A {strides = array<i32>} : memref<1024xf32, #tpu.memory_space<vmem>>, vector<16xf32>,
    %swap3A_20 = arith.constant 1008 : index
    %swap3A_21 = tpu.vector_load %arg6[%swap3A_20] {strides = array<i32>} : memref<1024xf32, #tpu.memory_space<vmem>>, vector<16xf32>,
    tpu.vector_store %arg6[%swap3A_20], %broadcast_in_dim3A_15 {strides = array<i32>} : memref<1024xf32, #tpu.memory_space<vmem>>, vector<16xf32>,
    %parallel_loop3A = arith.constant 0 : i32
    %parallel_loop3A_22 = arith.constant 64 : i32
    %parallel_loop3A_23 = arith.constant 4 : i32
    %parallel_loop3A_24:4 = scf.for %parallel_loop3A_113 = %parallel_loop3A to %parallel_loop3A_22 step %parallel_loop3A_23 iter_args(%parallel_loop3A_114 = %broadcast_in_dim3A_15, %parallel_loop3A_115 = %broadcast_in_dim3A_15, %parallel_loop3A_116 = %broadcast_in_dim3A_15, %parallel_loop3A_117 = %broadcast_in_dim3A_15) -> (vector<16xf32>, vector<16xf32>, vector<16xf32>, vector<16xf32>)  : i32 {
      %parallel_loop3A_118 = arith.constant 0 : i32
      %parallel_loop3A_119 = arith.addi %parallel_loop3A_113, %parallel_loop3A_118 : i32
      %parallel_loop3A_120 = arith.constant 16 : i32
      %parallel_loop3A_121 = arith.muli %parallel_loop3A_119, %parallel_loop3A_120 : i32
      %parallel_loop3A_122 = arith.index_cast %parallel_loop3A_121 : i32 to index
      %parallel_loop3A_123 = tpu.vector_load %arg6[%parallel_loop3A_122] {strides = array<i32>} : memref<1024xf32, #tpu.memory_space<vmem>>, vector<16xf32>,
      %parallel_loop3A_124 = arith.maximumf %parallel_loop3A_114, %parallel_loop3A_123 : vector<16xf32>
      %parallel_loop3A_125 = arith.constant 1 : i32
      %parallel_loop3A_126 = arith.addi %parallel_loop3A_113, %parallel_loop3A_125 : i32
      %parallel_loop3A_127 = arith.constant 16 : i32
      %parallel_loop3A_128 = arith.muli %parallel_loop3A_126, %parallel_loop3A_127 : i32
      %parallel_loop3A_129 = arith.index_cast %parallel_loop3A_128 : i32 to index
      %parallel_loop3A_130 = tpu.vector_load %arg6[%parallel_loop3A_129] {strides = array<i32>} : memref<1024xf32, #tpu.memory_space<vmem>>, vector<16xf32>,
      %parallel_loop3A_131 = arith.maximumf %parallel_loop3A_115, %parallel_loop3A_130 : vector<16xf32>
      %parallel_loop3A_132 = arith.constant 2 : i32
      %parallel_loop3A_133 = arith.addi %parallel_loop3A_113, %parallel_loop3A_132 : i32
      %parallel_loop3A_134 = arith.constant 16 : i32
      %parallel_loop3A_135 = arith.muli %parallel_loop3A_133, %parallel_loop3A_134 : i32
      %parallel_loop3A_136 = arith.index_cast %parallel_loop3A_135 : i32 to index
      %parallel_loop3A_137 = tpu.vector_load %arg6[%parallel_loop3A_136] {strides = array<i32>} : memref<1024xf32, #tpu.memory_space<vmem>>, vector<16xf32>,
      %parallel_loop3A_138 = arith.maximumf %parallel_loop3A_116, %parallel_loop3A_137 : vector<16xf32>
      %parallel_loop3A_139 = arith.constant 3 : i32
      %parallel_loop3A_140 = arith.addi %parallel_loop3A_113, %parallel_loop3A_139 : i32
      %parallel_loop3A_141 = arith.constant 16 : i32
      %parallel_loop3A_142 = arith.muli %parallel_loop3A_140, %parallel_loop3A_141 : i32
      %parallel_loop3A_143 = arith.index_cast %parallel_loop3A_142 : i32 to index
      %parallel_loop3A_144 = tpu.vector_load %arg6[%parallel_loop3A_143] {strides = array<i32>} : memref<1024xf32, #tpu.memory_space<vmem>>, vector<16xf32>,
      %parallel_loop3A_145 = arith.maximumf %parallel_loop3A_117, %parallel_loop3A_144 : vector<16xf32>
      scf.yield %parallel_loop3A_124, %parallel_loop3A_131, %parallel_loop3A_138, %parallel_loop3A_145 : vector<16xf32>, vector<16xf32>, vector<16xf32>, vector<16xf32>
    } {sc.loop_unroll_factor = 2 : i64, sc.parallel_access}
    %max3A = arith.maximumf %parallel_loop3A_24#0, %parallel_loop3A_24#1 : vector<16xf32>
    %max3A_25 = arith.maximumf %parallel_loop3A_24#2, %parallel_loop3A_24#3 : vector<16xf32>
    %max3A_26 = arith.maximumf %max3A, %max3A_25 : vector<16xf32>
    %iota3A_27 = tpu.iota {dimensions = array<i32: 0>} : vector<16xi32>
    %xor3A = arith.constant 8 : i32
    %xor3A_28 = vector.broadcast %xor3A : i32 to vector<16xi32>
    %xor3A_29 = arith.xori %iota3A_27, %xor3A_28 : vector<16xi32>
    %broadcast_in_dim3A_30 = vector.shape_cast %xor3A_29 : vector<16xi32> to vector<16x1xi32>
    %gather3A = vector.shape_cast %broadcast_in_dim3A_30 : vector<16x1xi32> to vector<16xi32>
    %gather3A_31 = tpu.dynamic_gather %max3A_26[%gather3A] in [0] : vector<16xf32>, vector<16xi32> -> vector<16xf32>
    %max3A_32 = arith.maximumf %max3A_26, %gather3A_31 : vector<16xf32>
    %iota3A_33 = tpu.iota {dimensions = array<i32: 0>} : vector<16xi32>
    %xor3A_34 = arith.constant 4 : i32
    %xor3A_35 = vector.broadcast %xor3A_34 : i32 to vector<16xi32>
    %xor3A_36 = arith.xori %iota3A_33, %xor3A_35 : vector<16xi32>
    %broadcast_in_dim3A_37 = vector.shape_cast %xor3A_36 : vector<16xi32> to vector<16x1xi32>
    %gather3A_38 = vector.shape_cast %broadcast_in_dim3A_37 : vector<16x1xi32> to vector<16xi32>
    %gather3A_39 = tpu.dynamic_gather %max3A_32[%gather3A_38] in [0] : vector<16xf32>, vector<16xi32> -> vector<16xf32>
    %max3A_40 = arith.maximumf %max3A_32, %gather3A_39 : vector<16xf32>
    %iota3A_41 = tpu.iota {dimensions = array<i32: 0>} : vector<16xi32>
    %xor3A_42 = arith.constant 2 : i32
    %xor3A_43 = vector.broadcast %xor3A_42 : i32 to vector<16xi32>
    %xor3A_44 = arith.xori %iota3A_41, %xor3A_43 : vector<16xi32>
    %broadcast_in_dim3A_45 = vector.shape_cast %xor3A_44 : vector<16xi32> to vector<16x1xi32>
    %gather3A_46 = vector.shape_cast %broadcast_in_dim3A_45 : vector<16x1xi32> to vector<16xi32>
    %gather3A_47 = tpu.dynamic_gather %max3A_40[%gather3A_46] in [0] : vector<16xf32>, vector<16xi32> -> vector<16xf32>
    %max3A_48 = arith.maximumf %max3A_40, %gather3A_47 : vector<16xf32>
    %iota3A_49 = tpu.iota {dimensions = array<i32: 0>} : vector<16xi32>
    %xor3A_50 = arith.constant 1 : i32
    %xor3A_51 = vector.broadcast %xor3A_50 : i32 to vector<16xi32>
    %xor3A_52 = arith.xori %iota3A_49, %xor3A_51 : vector<16xi32>
    %broadcast_in_dim3A_53 = vector.shape_cast %xor3A_52 : vector<16xi32> to vector<16x1xi32>
    %gather3A_54 = vector.shape_cast %broadcast_in_dim3A_53 : vector<16x1xi32> to vector<16xi32>
    %gather3A_55 = tpu.dynamic_gather %max3A_48[%gather3A_54] in [0] : vector<16xf32>, vector<16xi32> -> vector<16xf32>
    %max3A_56 = arith.maximumf %max3A_48, %gather3A_55 : vector<16xf32>
    %dma_wait3A_57 = tpu.memref_slice %arg2[%mul3A_0] : memref<16384xf32, #tpu.memory_space<hbm>> -> memref<1024xf32, #tpu.memory_space<hbm>>
    %dma_wait3A_58 = tpu.memref_slice %arg2[%mul3A_0] : memref<16384xf32, #tpu.memory_space<hbm>> -> memref<1024xf32, #tpu.memory_space<hbm>>
    tpu.wait_dma2 semaphore(%arg13 : memref<!tpu.dma_semaphore, #tpu.memory_space<semaphore_mem>>) src(%dma_wait3A_58 : memref<1024xf32, #tpu.memory_space<hbm>>) dst(%arg7 : memref<1024xf32, #tpu.memory_space<vmem>>)
    %dma_wait3A_59 = tpu.memref_slice %arg3[%mul3A_0] : memref<16384xi32, #tpu.memory_space<hbm>> -> memref<1024xi32, #tpu.memory_space<hbm>>
    %dma_wait3A_60 = tpu.memref_slice %arg3[%mul3A_0] : memref<16384xi32, #tpu.memory_space<hbm>> -> memref<1024xi32, #tpu.memory_space<hbm>>
    tpu.wait_dma2 semaphore(%arg14 : memref<!tpu.dma_semaphore, #tpu.memory_space<semaphore_mem>>) src(%dma_wait3A_60 : memref<1024xi32, #tpu.memory_space<hbm>>) dst(%arg8 : memref<1024xi32, #tpu.memory_space<vmem>>)
    %parallel_loop3A_61 = arith.constant 0 : i32
    %parallel_loop3A_62 = arith.constant 64 : i32
    %parallel_loop3A_63 = arith.constant 4 : i32
    %parallel_loop3A_64:8 = scf.for %parallel_loop3A_113 = %parallel_loop3A_61 to %parallel_loop3A_62 step %parallel_loop3A_63 iter_args(%parallel_loop3A_114 = %broadcast_in_dim3A_8, %parallel_loop3A_115 = %broadcast_in_dim3A_8, %parallel_loop3A_116 = %broadcast_in_dim3A_8, %parallel_loop3A_117 = %broadcast_in_dim3A_8, %parallel_loop3A_118 = %broadcast_in_dim3A_8, %parallel_loop3A_119 = %broadcast_in_dim3A_8, %parallel_loop3A_120 = %broadcast_in_dim3A_8, %parallel_loop3A_121 = %broadcast_in_dim3A_8) -> (vector<16xf32>, vector<16xf32>, vector<16xf32>, vector<16xf32>, vector<16xf32>, vector<16xf32>, vector<16xf32>, vector<16xf32>)  : i32 {
      %parallel_loop3A_122 = arith.constant 0 : i32
      %parallel_loop3A_123 = arith.addi %parallel_loop3A_113, %parallel_loop3A_122 : i32
      %parallel_loop3A_124 = arith.constant 16 : i32
      %parallel_loop3A_125 = arith.muli %parallel_loop3A_123, %parallel_loop3A_124 : i32
      %parallel_loop3A_126 = arith.index_cast %parallel_loop3A_125 : i32 to index
      %parallel_loop3A_127 = tpu.vector_load %arg6[%parallel_loop3A_126] {strides = array<i32>} : memref<1024xf32, #tpu.memory_space<vmem>>, vector<16xf32>,
      %parallel_loop3A_128 = arith.subf %parallel_loop3A_127, %max3A_56 : vector<16xf32>
      %parallel_loop3A_129 = math.exp %parallel_loop3A_128 : vector<16xf32>
      %parallel_loop3A_130 = arith.addf %parallel_loop3A_114, %parallel_loop3A_129 : vector<16xf32>
      %parallel_loop3A_131 = arith.constant 1 : i32
      %parallel_loop3A_132 = arith.addi %parallel_loop3A_113, %parallel_loop3A_131 : i32
      %parallel_loop3A_133 = arith.constant 16 : i32
      %parallel_loop3A_134 = arith.muli %parallel_loop3A_132, %parallel_loop3A_133 : i32
      %parallel_loop3A_135 = arith.index_cast %parallel_loop3A_134 : i32 to index
      %parallel_loop3A_136 = tpu.vector_load %arg6[%parallel_loop3A_135] {strides = array<i32>} : memref<1024xf32, #tpu.memory_space<vmem>>, vector<16xf32>,
      %parallel_loop3A_137 = arith.subf %parallel_loop3A_136, %max3A_56 : vector<16xf32>
      %parallel_loop3A_138 = math.exp %parallel_loop3A_137 : vector<16xf32>
      %parallel_loop3A_139 = arith.addf %parallel_loop3A_115, %parallel_loop3A_138 : vector<16xf32>
      %parallel_loop3A_140 = arith.constant 2 : i32
      %parallel_loop3A_141 = arith.addi %parallel_loop3A_113, %parallel_loop3A_140 : i32
      %parallel_loop3A_142 = arith.constant 16 : i32
      %parallel_loop3A_143 = arith.muli %parallel_loop3A_141, %parallel_loop3A_142 : i32
      %parallel_loop3A_144 = arith.index_cast %parallel_loop3A_143 : i32 to index
      %parallel_loop3A_145 = tpu.vector_load %arg6[%parallel_loop3A_144] {strides = array<i32>} : memref<1024xf32, #tpu.memory_space<vmem>>, vector<16xf32>,
      %parallel_loop3A_146 = arith.subf %parallel_loop3A_145, %max3A_56 : vector<16xf32>
      %parallel_loop3A_147 = math.exp %parallel_loop3A_146 : vector<16xf32>
      %parallel_loop3A_148 = arith.addf %parallel_loop3A_116, %parallel_loop3A_147 : vector<16xf32>
      %parallel_loop3A_149 = arith.constant 3 : i32
      %parallel_loop3A_150 = arith.addi %parallel_loop3A_113, %parallel_loop3A_149 : i32
      %parallel_loop3A_151 = arith.constant 16 : i32
      %parallel_loop3A_152 = arith.muli %parallel_loop3A_150, %parallel_loop3A_151 : i32
      %parallel_loop3A_153 = arith.index_cast %parallel_loop3A_152 : i32 to index
      %parallel_loop3A_154 = tpu.vector_load %arg6[%parallel_loop3A_153] {strides = array<i32>} : memref<1024xf32, #tpu.memory_space<vmem>>, vector<16xf32>,
      %parallel_loop3A_155 = arith.subf %parallel_loop3A_154, %max3A_56 : vector<16xf32>
      %parallel_loop3A_156 = math.exp %parallel_loop3A_155 : vector<16xf32>
      %parallel_loop3A_157 = arith.addf %parallel_loop3A_117, %parallel_loop3A_156 : vector<16xf32>
      %parallel_loop3A_158 = arith.constant 0 : i32
      %parallel_loop3A_159 = arith.addi %parallel_loop3A_113, %parallel_loop3A_158 : i32
      %parallel_loop3A_160 = arith.constant 16 : i32
      %parallel_loop3A_161 = arith.muli %parallel_loop3A_159, %parallel_loop3A_160 : i32
      %parallel_loop3A_162 = arith.index_cast %parallel_loop3A_161 : i32 to index
      %parallel_loop3A_163 = tpu.vector_load %arg8[%parallel_loop3A_162] {strides = array<i32>} : memref<1024xi32, #tpu.memory_space<vmem>>, vector<16xi32>,
      %parallel_loop3A_164 = tpu.vector_load_idx %arg6[%parallel_loop3A_163] : memref<1024xf32, #tpu.memory_space<vmem>>[vector<16xi32>], vector<16xf32>,
      %parallel_loop3A_165 = arith.subf %parallel_loop3A_164, %max3A_56 : vector<16xf32>
      %parallel_loop3A_166 = math.exp %parallel_loop3A_165 : vector<16xf32>
      %parallel_loop3A_167 = arith.constant 0 : i32
      %parallel_loop3A_168 = arith.addi %parallel_loop3A_113, %parallel_loop3A_167 : i32
      %parallel_loop3A_169 = arith.constant 16 : i32
      %parallel_loop3A_170 = arith.muli %parallel_loop3A_168, %parallel_loop3A_169 : i32
      %parallel_loop3A_171 = arith.index_cast %parallel_loop3A_170 : i32 to index
      %parallel_loop3A_172 = tpu.vector_load %arg7[%parallel_loop3A_171] {strides = array<i32>} : memref<1024xf32, #tpu.memory_space<vmem>>, vector<16xf32>,
      %parallel_loop3A_173 = arith.mulf %parallel_loop3A_166, %parallel_loop3A_172 : vector<16xf32>
      %parallel_loop3A_174 = arith.addf %parallel_loop3A_118, %parallel_loop3A_173 : vector<16xf32>
      %parallel_loop3A_175 = arith.constant 1 : i32
      %parallel_loop3A_176 = arith.addi %parallel_loop3A_113, %parallel_loop3A_175 : i32
      %parallel_loop3A_177 = arith.constant 16 : i32
      %parallel_loop3A_178 = arith.muli %parallel_loop3A_176, %parallel_loop3A_177 : i32
      %parallel_loop3A_179 = arith.index_cast %parallel_loop3A_178 : i32 to index
      %parallel_loop3A_180 = tpu.vector_load %arg8[%parallel_loop3A_179] {strides = array<i32>} : memref<1024xi32, #tpu.memory_space<vmem>>, vector<16xi32>,
      %parallel_loop3A_181 = tpu.vector_load_idx %arg6[%parallel_loop3A_180] : memref<1024xf32, #tpu.memory_space<vmem>>[vector<16xi32>], vector<16xf32>,
      %parallel_loop3A_182 = arith.subf %parallel_loop3A_181, %max3A_56 : vector<16xf32>
      %parallel_loop3A_183 = math.exp %parallel_loop3A_182 : vector<16xf32>
      %parallel_loop3A_184 = arith.constant 1 : i32
      %parallel_loop3A_185 = arith.addi %parallel_loop3A_113, %parallel_loop3A_184 : i32
      %parallel_loop3A_186 = arith.constant 16 : i32
      %parallel_loop3A_187 = arith.muli %parallel_loop3A_185, %parallel_loop3A_186 : i32
      %parallel_loop3A_188 = arith.index_cast %parallel_loop3A_187 : i32 to index
      %parallel_loop3A_189 = tpu.vector_load %arg7[%parallel_loop3A_188] {strides = array<i32>} : memref<1024xf32, #tpu.memory_space<vmem>>, vector<16xf32>,
      %parallel_loop3A_190 = arith.mulf %parallel_loop3A_183, %parallel_loop3A_189 : vector<16xf32>
      %parallel_loop3A_191 = arith.addf %parallel_loop3A_119, %parallel_loop3A_190 : vector<16xf32>
      %parallel_loop3A_192 = arith.constant 2 : i32
      %parallel_loop3A_193 = arith.addi %parallel_loop3A_113, %parallel_loop3A_192 : i32
      %parallel_loop3A_194 = arith.constant 16 : i32
      %parallel_loop3A_195 = arith.muli %parallel_loop3A_193, %parallel_loop3A_194 : i32
      %parallel_loop3A_196 = arith.index_cast %parallel_loop3A_195 : i32 to index
      %parallel_loop3A_197 = tpu.vector_load %arg8[%parallel_loop3A_196] {strides = array<i32>} : memref<1024xi32, #tpu.memory_space<vmem>>, vector<16xi32>,
      %parallel_loop3A_198 = tpu.vector_load_idx %arg6[%parallel_loop3A_197] : memref<1024xf32, #tpu.memory_space<vmem>>[vector<16xi32>], vector<16xf32>,
      %parallel_loop3A_199 = arith.subf %parallel_loop3A_198, %max3A_56 : vector<16xf32>
      %parallel_loop3A_200 = math.exp %parallel_loop3A_199 : vector<16xf32>
      %parallel_loop3A_201 = arith.constant 2 : i32
      %parallel_loop3A_202 = arith.addi %parallel_loop3A_113, %parallel_loop3A_201 : i32
      %parallel_loop3A_203 = arith.constant 16 : i32
      %parallel_loop3A_204 = arith.muli %parallel_loop3A_202, %parallel_loop3A_203 : i32
      %parallel_loop3A_205 = arith.index_cast %parallel_loop3A_204 : i32 to index
      %parallel_loop3A_206 = tpu.vector_load %arg7[%parallel_loop3A_205] {strides = array<i32>} : memref<1024xf32, #tpu.memory_space<vmem>>, vector<16xf32>,
      %parallel_loop3A_207 = arith.mulf %parallel_loop3A_200, %parallel_loop3A_206 : vector<16xf32>
      %parallel_loop3A_208 = arith.addf %parallel_loop3A_120, %parallel_loop3A_207 : vector<16xf32>
      %parallel_loop3A_209 = arith.constant 3 : i32
      %parallel_loop3A_210 = arith.addi %parallel_loop3A_113, %parallel_loop3A_209 : i32
      %parallel_loop3A_211 = arith.constant 16 : i32
      %parallel_loop3A_212 = arith.muli %parallel_loop3A_210, %parallel_loop3A_211 : i32
      %parallel_loop3A_213 = arith.index_cast %parallel_loop3A_212 : i32 to index
      %parallel_loop3A_214 = tpu.vector_load %arg8[%parallel_loop3A_213] {strides = array<i32>} : memref<1024xi32, #tpu.memory_space<vmem>>, vector<16xi32>,
      %parallel_loop3A_215 = tpu.vector_load_idx %arg6[%parallel_loop3A_214] : memref<1024xf32, #tpu.memory_space<vmem>>[vector<16xi32>], vector<16xf32>,
      %parallel_loop3A_216 = arith.subf %parallel_loop3A_215, %max3A_56 : vector<16xf32>
      %parallel_loop3A_217 = math.exp %parallel_loop3A_216 : vector<16xf32>
      %parallel_loop3A_218 = arith.constant 3 : i32
      %parallel_loop3A_219 = arith.addi %parallel_loop3A_113, %parallel_loop3A_218 : i32
      %parallel_loop3A_220 = arith.constant 16 : i32
      %parallel_loop3A_221 = arith.muli %parallel_loop3A_219, %parallel_loop3A_220 : i32
      %parallel_loop3A_222 = arith.index_cast %parallel_loop3A_221 : i32 to index
      %parallel_loop3A_223 = tpu.vector_load %arg7[%parallel_loop3A_222] {strides = array<i32>} : memref<1024xf32, #tpu.memory_space<vmem>>, vector<16xf32>,
      %parallel_loop3A_224 = arith.mulf %parallel_loop3A_217, %parallel_loop3A_223 : vector<16xf32>
      %parallel_loop3A_225 = arith.addf %parallel_loop3A_121, %parallel_loop3A_224 : vector<16xf32>
      scf.yield %parallel_loop3A_130, %parallel_loop3A_139, %parallel_loop3A_148, %parallel_loop3A_157, %parallel_loop3A_174, %parallel_loop3A_191, %parallel_loop3A_208, %parallel_loop3A_225 : vector<16xf32>, vector<16xf32>, vector<16xf32>, vector<16xf32>, vector<16xf32>, vector<16xf32>, vector<16xf32>, vector<16xf32>
    } {sc.loop_unroll_factor = 2 : i64, sc.parallel_access}
    %add3A = arith.addf %parallel_loop3A_64#0, %parallel_loop3A_64#1 : vector<16xf32>
    %add3A_65 = arith.addf %parallel_loop3A_64#2, %parallel_loop3A_64#3 : vector<16xf32>
    %add3A_66 = arith.addf %add3A, %add3A_65 : vector<16xf32>
    %iota3A_67 = tpu.iota {dimensions = array<i32: 0>} : vector<16xi32>
    %xor3A_68 = arith.constant 8 : i32
    %xor3A_69 = vector.broadcast %xor3A_68 : i32 to vector<16xi32>
    %xor3A_70 = arith.xori %iota3A_67, %xor3A_69 : vector<16xi32>
    %broadcast_in_dim3A_71 = vector.shape_cast %xor3A_70 : vector<16xi32> to vector<16x1xi32>
    %gather3A_72 = vector.shape_cast %broadcast_in_dim3A_71 : vector<16x1xi32> to vector<16xi32>
    %gather3A_73 = tpu.dynamic_gather %add3A_66[%gather3A_72] in [0] : vector<16xf32>, vector<16xi32> -> vector<16xf32>
    %add3A_74 = arith.addf %add3A_66, %gather3A_73 : vector<16xf32>
    %iota3A_75 = tpu.iota {dimensions = array<i32: 0>} : vector<16xi32>
    %xor3A_76 = arith.constant 4 : i32
    %xor3A_77 = vector.broadcast %xor3A_76 : i32 to vector<16xi32>
    %xor3A_78 = arith.xori %iota3A_75, %xor3A_77 : vector<16xi32>
    %broadcast_in_dim3A_79 = vector.shape_cast %xor3A_78 : vector<16xi32> to vector<16x1xi32>
    %gather3A_80 = vector.shape_cast %broadcast_in_dim3A_79 : vector<16x1xi32> to vector<16xi32>
    %gather3A_81 = tpu.dynamic_gather %add3A_74[%gather3A_80] in [0] : vector<16xf32>, vector<16xi32> -> vector<16xf32>
    %add3A_82 = arith.addf %add3A_74, %gather3A_81 : vector<16xf32>
    %iota3A_83 = tpu.iota {dimensions = array<i32: 0>} : vector<16xi32>
    %xor3A_84 = arith.constant 2 : i32
    %xor3A_85 = vector.broadcast %xor3A_84 : i32 to vector<16xi32>
    %xor3A_86 = arith.xori %iota3A_83, %xor3A_85 : vector<16xi32>
    %broadcast_in_dim3A_87 = vector.shape_cast %xor3A_86 : vector<16xi32> to vector<16x1xi32>
    %gather3A_88 = vector.shape_cast %broadcast_in_dim3A_87 : vector<16x1xi32> to vector<16xi32>
    %gather3A_89 = tpu.dynamic_gather %add3A_82[%gather3A_88] in [0] : vector<16xf32>, vector<16xi32> -> vector<16xf32>
    %add3A_90 = arith.addf %add3A_82, %gather3A_89 : vector<16xf32>
    %iota3A_91 = tpu.iota {dimensions = array<i32: 0>} : vector<16xi32>
    %xor3A_92 = arith.constant 1 : i32
    %xor3A_93 = vector.broadcast %xor3A_92 : i32 to vector<16xi32>
    %xor3A_94 = arith.xori %iota3A_91, %xor3A_93 : vector<16xi32>
    %broadcast_in_dim3A_95 = vector.shape_cast %xor3A_94 : vector<16xi32> to vector<16x1xi32>
    %gather3A_96 = vector.shape_cast %broadcast_in_dim3A_95 : vector<16x1xi32> to vector<16xi32>
    %gather3A_97 = tpu.dynamic_gather %add3A_90[%gather3A_96] in [0] : vector<16xf32>, vector<16xi32> -> vector<16xf32>
    %add3A_98 = arith.addf %add3A_90, %gather3A_97 : vector<16xf32>
    %add3A_99 = arith.addf %parallel_loop3A_64#4, %parallel_loop3A_64#5 : vector<16xf32>
    %add3A_100 = arith.addf %parallel_loop3A_64#6, %parallel_loop3A_64#7 : vector<16xf32>
    %add3A_101 = arith.addf %add3A_99, %add3A_100 : vector<16xf32>
    %swap3A_102 = arith.constant 0 : index
    %swap3A_103 = tpu.vector_load %arg10[%swap3A_102] {strides = array<i32>} : memref<16xf32, #tpu.memory_space<vmem>>, vector<16xf32>,
    tpu.vector_store %arg10[%swap3A_102], %add3A_101 {strides = array<i32>} : memref<16xf32, #tpu.memory_space<vmem>>, vector<16xf32>,
    %iota3A_104 = tpu.iota {dimensions = array<i32: 0>} : vector<16xi32>
    "tpu.region"() ({
      %run_scoped3A = tpu.sem_alloc : memref<!tpu.dma_semaphore, #tpu.memory_space<semaphore_mem>>
      %dma_start3A_113 = arith.constant 0 : i32
      %dma_start3A_114 = tpu.memref_slice %arg11[%dma_start3A_113] : memref<16xf32, #tpu.memory_space<vmem_shared>> -> memref<16xf32, #tpu.memory_space<vmem_shared>>
      tpu.enqueue_indirect_dma source(%arg10 : memref<16xf32, #tpu.memory_space<vmem>>) target(%dma_start3A_114 : memref<16xf32, #tpu.memory_space<vmem_shared>>) offsets(%iota3A_104 : vector<16xi32>) semaphore(%run_scoped3A : memref<!tpu.dma_semaphore, #tpu.memory_space<semaphore_mem>>) {add = true}
      %dma_wait3A_115 = arith.constant 0 : i32
      %dma_wait3A_116 = tpu.memref_slice %arg11[%dma_wait3A_115] : memref<16xf32, #tpu.memory_space<vmem_shared>> -> memref<16xf32, #tpu.memory_space<vmem_shared>>
      tpu.wait_indirect_dma semaphore(%run_scoped3A : memref<!tpu.dma_semaphore, #tpu.memory_space<semaphore_mem>>) src(%arg10 : memref<16xf32, #tpu.memory_space<vmem>>) dst(%dma_wait3A_116 : memref<16xf32, #tpu.memory_space<vmem_shared>>)
      tpu.yield
    }) : () -> ()
    %barrier3A_105 = arith.constant 0 : index
    tpu.barrier barrier_id(%barrier3A_105)
    %eq3A_106 = arith.constant 0 : i32
    %eq3A_107 = arith.cmpi eq, %arg1, %eq3A_106 : i32
    %eq3A_108 = arith.constant 0 : i32
    %eq3A_109 = arith.cmpi eq, %arg0, %eq3A_108 : i32
    %and3A = arith.andi %eq3A_107, %eq3A_109 : i1
    %convert_element_type3A_110 = arith.extui %and3A : i1 to i32
    %cond3A_111 = arith.constant 0 : i32
    %cond3A_112 = arith.cmpi ne, %convert_element_type3A_110, %cond3A_111 : i32
    scf.if %cond3A_112 {
      "tpu.region"() ({
        %run_scoped3A = tpu.sem_alloc : memref<!tpu.dma_semaphore, #tpu.memory_space<semaphore_mem>>
        tpu.enqueue_dma source(%arg11 : memref<16xf32, #tpu.memory_space<vmem_shared>>) target(%arg9 : memref<16xf32, #tpu.memory_space<vmem>>) target_semaphore(%run_scoped3A : memref<!tpu.dma_semaphore, #tpu.memory_space<semaphore_mem>>)
        tpu.wait_dma2 semaphore(%run_scoped3A : memref<!tpu.dma_semaphore, #tpu.memory_space<semaphore_mem>>) src(%arg11 : memref<16xf32, #tpu.memory_space<vmem_shared>>) dst(%arg9 : memref<16xf32, #tpu.memory_space<vmem>>)
        tpu.yield
      }) : () -> ()
      %get3A_113 = arith.constant 0 : index
      %get3A_114 = tpu.vector_load %arg9[%get3A_113] {strides = array<i32>} : memref<16xf32, #tpu.memory_space<vmem>>, vector<16xf32>,
      %iota3A_115 = tpu.iota {dimensions = array<i32: 0>} : vector<16xi32>
      %xor3A_116 = arith.constant 8 : i32
      %xor3A_117 = vector.broadcast %xor3A_116 : i32 to vector<16xi32>
      %xor3A_118 = arith.xori %iota3A_115, %xor3A_117 : vector<16xi32>
      %broadcast_in_dim3A_119 = vector.shape_cast %xor3A_118 : vector<16xi32> to vector<16x1xi32>
      %gather3A_120 = vector.shape_cast %broadcast_in_dim3A_119 : vector<16x1xi32> to vector<16xi32>
      %gather3A_121 = tpu.dynamic_gather %get3A_114[%gather3A_120] in [0] : vector<16xf32>, vector<16xi32> -> vector<16xf32>
      %add3A_122 = arith.addf %get3A_114, %gather3A_121 : vector<16xf32>
      %iota3A_123 = tpu.iota {dimensions = array<i32: 0>} : vector<16xi32>
      %xor3A_124 = arith.constant 4 : i32
      %xor3A_125 = vector.broadcast %xor3A_124 : i32 to vector<16xi32>
      %xor3A_126 = arith.xori %iota3A_123, %xor3A_125 : vector<16xi32>
      %broadcast_in_dim3A_127 = vector.shape_cast %xor3A_126 : vector<16xi32> to vector<16x1xi32>
      %gather3A_128 = vector.shape_cast %broadcast_in_dim3A_127 : vector<16x1xi32> to vector<16xi32>
      %gather3A_129 = tpu.dynamic_gather %add3A_122[%gather3A_128] in [0] : vector<16xf32>, vector<16xi32> -> vector<16xf32>
      %add3A_130 = arith.addf %add3A_122, %gather3A_129 : vector<16xf32>
      %iota3A_131 = tpu.iota {dimensions = array<i32: 0>} : vector<16xi32>
      %xor3A_132 = arith.constant 2 : i32
      %xor3A_133 = vector.broadcast %xor3A_132 : i32 to vector<16xi32>
      %xor3A_134 = arith.xori %iota3A_131, %xor3A_133 : vector<16xi32>
      %broadcast_in_dim3A_135 = vector.shape_cast %xor3A_134 : vector<16xi32> to vector<16x1xi32>
      %gather3A_136 = vector.shape_cast %broadcast_in_dim3A_135 : vector<16x1xi32> to vector<16xi32>
      %gather3A_137 = tpu.dynamic_gather %add3A_130[%gather3A_136] in [0] : vector<16xf32>, vector<16xi32> -> vector<16xf32>
      %add3A_138 = arith.addf %add3A_130, %gather3A_137 : vector<16xf32>
      %iota3A_139 = tpu.iota {dimensions = array<i32: 0>} : vector<16xi32>
      %xor3A_140 = arith.constant 1 : i32
      %xor3A_141 = vector.broadcast %xor3A_140 : i32 to vector<16xi32>
      %xor3A_142 = arith.xori %iota3A_139, %xor3A_141 : vector<16xi32>
      %broadcast_in_dim3A_143 = vector.shape_cast %xor3A_142 : vector<16xi32> to vector<16x1xi32>
      %gather3A_144 = vector.shape_cast %broadcast_in_dim3A_143 : vector<16x1xi32> to vector<16xi32>
      %gather3A_145 = tpu.dynamic_gather %add3A_138[%gather3A_144] in [0] : vector<16xf32>, vector<16xi32> -> vector<16xf32>
      %add3A_146 = arith.addf %add3A_138, %gather3A_145 : vector<16xf32>
      %div3A = arith.constant 1.000000e+03 : f32
      %div3A_147 = arith.constant 1.638400e+04 : f32
      %div3A_148 = arith.divf %div3A, %div3A_147 : f32
      %mul3A_149 = vector.broadcast %div3A_148 : f32 to vector<16xf32>
      %mul3A_150 = arith.mulf %add3A_146, %mul3A_149 : vector<16xf32>
      %div3A_151 = arith.divf %mul3A_150, %add3A_98 : vector<16xf32>
      %swap3A_152 = arith.constant 0 : index
      %swap3A_153 = tpu.vector_load %arg10[%swap3A_152] {strides = array<i32>} : memref<16xf32, #tpu.memory_space<vmem>>, vector<16xf32>,
      tpu.vector_store %arg10[%swap3A_152], %div3A_151 {strides = array<i32>} : memref<16xf32, #tpu.memory_space<vmem>>, vector<16xf32>,
      "tpu.region"() ({
        %run_scoped3A = tpu.sem_alloc : memref<!tpu.dma_semaphore, #tpu.memory_space<semaphore_mem>>
        %dma_start3A_154 = arith.constant 0 : i32
        %dma_start3A_155 = tpu.memref_slice %arg10[%dma_start3A_154] : memref<16xf32, #tpu.memory_space<vmem>> -> memref<1xf32, #tpu.memory_space<vmem>>
        %dma_start3A_156 = arith.constant 0 : i32
        %dma_start3A_157 = tpu.memref_slice %arg10[%dma_start3A_156] : memref<16xf32, #tpu.memory_space<vmem>> -> memref<1xf32, #tpu.memory_space<vmem>>
        tpu.enqueue_dma source(%dma_start3A_157 : memref<1xf32, #tpu.memory_space<vmem>>) target(%arg5 : memref<1xf32, #tpu.memory_space<hbm>>) target_semaphore(%run_scoped3A : memref<!tpu.dma_semaphore, #tpu.memory_space<semaphore_mem>>)
        %dma_wait3A_158 = arith.constant 0 : i32
        %dma_wait3A_159 = tpu.memref_slice %arg10[%dma_wait3A_158] : memref<16xf32, #tpu.memory_space<vmem>> -> memref<1xf32, #tpu.memory_space<vmem>>
        %dma_wait3A_160 = arith.constant 0 : i32
        %dma_wait3A_161 = tpu.memref_slice %arg10[%dma_wait3A_160] : memref<16xf32, #tpu.memory_space<vmem>> -> memref<1xf32, #tpu.memory_space<vmem>>
        tpu.wait_dma2 semaphore(%run_scoped3A : memref<!tpu.dma_semaphore, #tpu.memory_space<semaphore_mem>>) src(%dma_wait3A_161 : memref<1xf32, #tpu.memory_space<vmem>>) dst(%arg5 : memref<1xf32, #tpu.memory_space<hbm>>)
        tpu.yield
      }) : () -> ()
    } else {
    }
    return
  }
}

</mosaic_0001>

<sc_bundles>
// kernel: _sc_call.3.cloned.1.call-start
scs
__scs_entry_jumppad:
0x0: {  	(pc) =	sbr.rel $0x88, $3  }
0x1: {  	(tag) =	ssettag $0x0;
	lr =	simm.s32 $0x1  }
0x2: {  	[smem:$0x3F9E] =	sst lr;
	_ =	strace $0xD0000000  }
0x3: {  	_ = 	snop  }
0x4: {  	_ = 	snop  }
0x5: {  	_ = 	snop  }
0x6: {  	_ = 	snop  }
0x7: {  	_ = 	snop  }
__scs_overlays_trampoline_lowered:
0x8: {  	[smem:$0x3FAD] =	sst s0  }
0x9: {  	[smem:$0x3FAE] =	sst s1  }
0xa: {  	[smem:$0x3FAF] =	sst s2  }
0xb: {  	[smem:$0x3FB0] =	sst s3  }
0xc: {  	[smem:$0x3FB1] =	sst s4  }
0xd: {  	[smem:$0x3FB2] =	sst s5  }
0xe: {  	[smem:$0x3FB3] =	sst s6  }
0xf: {  	[smem:$0x3FB4] =	sst s7  }
0x10: {  	[smem:$0x3FB5] =	sst s8  }
0x11: {  	[smem:$0x3FB6] =	sst s9;
	s0 =	simm.s32 @!p0 $0x0  }
0x12: {  	s1 =	sld [smem:$0x3F9C];
	s0 =	simm.s32 @p0 $0x1  }
0x13: {  	[smem:$0x3FB7] =	sst s0;
	s0 =	simm.s32 @!p1 $0x0  }
0x14: {  	s2 =	sld [smem:$0x3F9B];
	s0 =	simm.s32 @p1 $0x1  }
0x15: {  	[smem:$0x3FB8] =	sst s0;
	s0 =	simm.s32 @!p2 $0x0  }
0x16: {  	s3 =	sld [smem:$0x3FDB];
	s0 =	simm.s32 @p2 $0x1  }
0x17: {  	s4 =	simm.s32 $0x1BF5;
	[smem:$0x3FBA] =	sst s0  }
0x18: {  	s0 =	sld [smem:$0x3F9D];
	_ =	swait.ge [sflag:s4], $0x0  }
0x19: {  	s7 =	sld [smem:$0x3F9E]  }
0x1a: {  	s8 =	sadd.s32 $0xFFFFE003, lr  }
0x1b: {  	s9 =	sadd.s32 $0xFFFFFEF7, lr;
	s5 =	simm.s32 $0xFFFFFFFF;
	p2 =	slt.u32 s8, $0xFFFFF086  }
0x1c: {  	p1 =	slt.u32 s9, $0xF7A;
	s5 =	simm.s32 @!p2 $0x0  }
0x1d: {  	s5 =	simm.s32 @p1 $0x1;
	p0 =	seq.s32 s7, s2  }
0x1e: {  	s7 =	smul.u32 @!p0 $0xF7A, s2;
	p2 =	seq.s32 @!p0 s5, $0x0  }
0x1f: {  	s9 =	smul.u32 $0xF7A, s1;
	s8 =	simm.s32 @!p0 $0x1BF5;
	p2 =	por !p2, p0  }
0x20: {  	[sflag:s8] =	ssyncset.s32 @!p0 $0xFFFFF086;
	s6 =	sadd.s32 @!p0 s3, s7;
	s7 =	simm.s32 @!p0 $0x108  }
0x21: {  	s3 =	sadd.s32 s3, s9;
	s6 =	sadd.s32 @!p0 $0x88, s6;
	s7 =	simm.s32 @p2 $0x1082  }
0x22: {  	[simem:s7], [sflag:s8] =	dma.local @!p0 [hbm:s6], $0xF7A  }
0x23: {  	s9 =	sor.u32 $0xD0000000, s2;
	s6 =	simm.s32 $0x108;
	_ =	swait.ge @!p0 [sflag:s8], $0x0  }
0x24: {  	s3 =	sadd.s32 $0x88, s3;
	s6 =	simm.s32 @!p1 $0x1082;
	[sflag:s4] =	ssyncset.s32 $0xFFFFF086  }
0x25: {  	[simem:s6], [sflag:s4] =	dma.local [hbm:s3], $0xF7A  }
0x26: {  	[smem:$0x3F9E] =	sst s1;
	(tag) =	ssettag s2;
	_ =	strace s9  }
0x27: {  	s1 =	sld [smem:$0x3FAE]  }
0x28: {  	s2 =	sld [smem:$0x3FAF]  }
0x29: {  	s4 =	sld [smem:$0x3FB1]  }
0x2a: {  	p0 =	seq.s32 s5, $0x0;
	s5 =	sld [smem:$0x3FB2]  }
0x2b: {  	s6 =	sld [smem:$0x3FB3]  }
0x2c: {  	s7 =	sld [smem:$0x3FB4]  }
0x2d: {  	s3 =	simm.s32 $0x108;
	s8 =	sld [smem:$0x3FB5]  }
0x2e: {  	s3 =	simm.s32 @!p0 $0x1082;
	s9 =	sld [smem:$0x3FB6]  }
0x2f: {  	lr =	sadd.s32 s0, s3;
	s0 =	sld [smem:$0x3FAD]  }
0x30: {  	s3 =	sld [smem:$0x3FB0]  }
0x31: {  	[smem:$0x3FB9] =	sst s10  }
0x32: {  	s10 =	sld [smem:$0x3FB7];
	_ =	sdelay $0x3  }
0x33: {  	p0 =	seq.s32 s10, $0x1;
	s10 =	sld [smem:$0x3FB9];
	_ =	sdelay $0x3  }
0x34: {  	[smem:$0x3FB9] =	sst s10  }
0x35: {  	s10 =	sld [smem:$0x3FB8];
	_ =	sdelay $0x3  }
0x36: {  	p1 =	seq.s32 s10, $0x1;
	s10 =	sld [smem:$0x3FB9];
	_ =	sdelay $0x3  }
0x37: {  	[smem:$0x3FB9] =	sst s10  }
0x38: {  	s10 =	sld [smem:$0x3FBA]  }
0x39: {  	_ = 	snop;
	(pc) =	sbr.ind lr, $3  }
0x3a: {  	_ = 	snop  }
0x3b: {  	_ = 	snop  }
0x3c: {  	p2 =	seq.s32 s10, $0x1;
	s10 =	sld [smem:$0x3FB9]  }
0x3d: {  	_ =	shalt  }
0x3e: {  	_ =	shalt  }
0x3f: {  	_ =	shalt  }
0x40: {  	_ =	shalt  }
0x41: {  	_ =	shalt  }
0x42: {  	_ =	shalt  }
0x43: {  	_ =	shalt  }
0x44: {  	_ =	shalt  }
0x45: {  	_ =	shalt  }
0x46: {  	_ =	shalt  }
0x47: {  	_ =	shalt  }
0x48: {  	_ =	shalt  }
0x49: {  	_ =	shalt  }
0x4a: {  	_ =	shalt  }
0x4b: {  	_ =	shalt  }
0x4c: {  	_ =	shalt  }
0x4d: {  	_ =	shalt  }
0x4e: {  	_ =	shalt  }
0x4f: {  	_ =	shalt  }
0x50: {  	_ =	shalt  }
0x51: {  	_ =	shalt  }
0x52: {  	_ =	shalt  }
0x53: {  	_ =	shalt  }
0x54: {  	_ =	shalt  }
0x55: {  	_ =	shalt  }
0x56: {  	_ =	shalt  }
0x57: {  	_ =	shalt  }
0x58: {  	_ =	shalt  }
0x59: {  	_ =	shalt  }
0x5a: {  	_ =	shalt  }
0x5b: {  	_ =	shalt  }
0x5c: {  	_ =	shalt  }
0x5d: {  	_ =	shalt  }
0x5e: {  	_ =	shalt  }
0x5f: {  	_ =	shalt  }
0x60: {  	_ =	shalt  }
0x61: {  	_ =	shalt  }
0x62: {  	_ =	shalt  }
0x63: {  	_ =	shalt  }
0x64: {  	_ =	shalt  }
0x65: {  	_ =	shalt  }
0x66: {  	_ =	shalt  }
0x67: {  	_ =	shalt  }
0x68: {  	_ =	shalt  }
0x69: {  	_ =	shalt  }
0x6a: {  	_ =	shalt  }
0x6b: {  	_ =	shalt  }
0x6c: {  	_ =	shalt  }
0x6d: {  	_ =	shalt  }
0x6e: {  	_ =	shalt  }
0x6f: {  	_ =	shalt  }
0x70: {  	_ =	shalt  }
0x71: {  	_ =	shalt  }
0x72: {  	_ =	shalt  }
0x73: {  	_ =	shalt  }
0x74: {  	_ =	shalt  }
0x75: {  	_ =	shalt  }
0x76: {  	_ =	shalt  }
0x77: {  	_ =	shalt  }
0x78: {  	_ =	shalt  }
0x79: {  	_ =	shalt  }
0x7a: {  	_ =	shalt  }
0x7b: {  	_ =	shalt  }
0x7c: {  	_ =	shalt  }
0x7d: {  	_ =	shalt  }
0x7e: {  	_ =	shalt  }
0x7f: {  	_ =	shalt  }
0x80: {  	_ =	shalt  }
0x81: {  	_ =	shalt  }
0x82: {  	_ =	shalt  }
0x83: {  	_ =	shalt  }
0x84: {  	_ =	shalt  }
0x85: {  	_ =	shalt  }
0x86: {  	_ =	shalt  }
0x87: {  	_ =	shalt  }
.Lfunc_end0:
.L_simem_size_0:
called_computation_lowered:
.L_overlay_start_0:
0x88: {  	s0 =	sld [smem:$0x3FD9]  }
0x89: {  	s1 =	sld [smem:$0x3FFE];
	_ =	sdelay $0x3  }
0x8a: {  	s0 =	sadd.s32 s1, s0  }
0x8b: {  	[smem:$0x3FC5] =	sst s0  }
0x8c: {  	_ = 	snop  }
0x8d: {  	s0 =	sld [smem:$0x3FC9]  }
0x8e: {  	s17 =	sld [smem:$0x3FC8]  }
0x8f: {  	s2 =	sld [smem:$0x3FC7]  }
0x90: {  	s3 =	sld [smem:$0x3FD0];
	(tm) =	ssettm $0x1  }
0x91: {  	s4 =	sld [smem:$0x3FFB];
	_ =	sdelay $0x3  }
0x92: {  	_ =	strace s4  }
0x93: {  	s4 =	sld [smem:$0x3FFC];
	_ =	sdelay $0x3  }
0x94: {  	_ =	strace s4  }
0x95: {  	s4 =	sld [smem:$0x3FFD];
	_ =	sdelay $0x3  }
0x96: {  	_ =	strace s4  }
0x97: {  	_ =	strace $0x8FFFFFFF  }
0x98: {  	s18 =	sld [smem:$0x3FDB];
	_ =	sdelay $0x1  }
0x99: {  	s5 =	simm.s32 $_scs_section_size  }
0x9a: {  	s6 =	simm.s32 $_size__tile_overlayer_lowered;
	s7 =	simm.s32 $_tile_overlayer_lowered  }
0x9b: {  	s21 =	simm.s32 $0x1BFF;
	s20 =	sshll.u32 s7, $0x1;
	s4 =	sadd.s32 s5, s18  }
0x9c: {  	s8 =	simm.s32 $0x0;
	s19 =	sshll.u32 s6, $0x1;
	s6 =	sadd.s32 s20, s4  }
0x9d: {  	[timem:s8], [sflag:s21] =	dma.local [hbm:s6], s19  }
0x9e: {  	_ =	swait.ge [sflag:s21], s19  }
0x9f: {  	s5 =	ssub.s32 $0x0, s19;
	[sflag:s21] =	ssyncset.done $0x0  }
0xa0: {  	[sflag:s21] =	ssyncadd.s32 s5;
	_ =	sdelay $0x1  }
0xa1: {  	s22 =	simm.s32 $0x1B8B  }
0xa2: {  	_ =	swait.ge [sflag:s22], $0x1  }
0xa3: {  	[sflag:s22] =	ssyncset.done $0x0  }
0xa4: {  	s23 =	simm.s32 $0x1B8E;
	[sflag:s22] =	ssyncadd.s32 $0xFFFFFFFF  }
0xa5: {  	s24 =	simm.s32 $execute0_lowered;
	[smem:$0x3FD2] =	sst s23  }
0xa6: {  	s5 =	sshll.u32 s24, $0x1;
	_ =	strace $0x80000046;
	[dreg:$0x1] =	wrdreg $0xFFFFFFFF  }
0xa7: {  	s25 =	simm.s32 $_size_execute0_lowered;
	s4 =	sadd.s32 s4, s5;
	[dreg:$0x0] =	wrdreg $0x0  }
0xa8: {  	s5 =	sshll.u32 s25, $0x1;
	[dreg:$0x2] =	wrdreg s4  }
0xa9: {  	[dreg:$0x3] =	wrdreg s5  }
0xaa: {  	[dreg:$0x4] =	wrdreg $0xC0  }
0xab: {  	_ =	task [dreg:s8], $0x5FFFF  }
0xac: {  	[dreg:$0x1] =	wrdreg $0xFFFFFFFF  }
0xad: {  	[dreg:$0x0] =	wrdreg $0x60  }
0xae: {  	[dreg:$0x2] =	wrdreg s0  }
0xaf: {  	[dreg:$0x3] =	wrdreg s17  }
0xb0: {  	[dreg:$0x4] =	wrdreg s2  }
0xb1: {  	[dreg:$0x5] =	wrdreg s3  }
0xb2: {  	[dreg:$0x6] =	wrdreg $0xD000  }
0xb3: {  	[dreg:$0x7] =	wrdreg $0x9  }
0xb4: {  	_ =	task.clear_ibuf [dreg:s8], $0x8FFFF;
	_ =	strace $0x90000046  }
0xb5: {  	s26 =	simm.s32 $0x9;
	_ =	strace $0x80000048  }
0xb6: {  	_ =	swait.ge [sflag:s26], $0x1  }
0xb7: {  	[sflag:s26] =	ssyncadd.s32 $0xFFFFFFFF  }
0xb8: {  	_ =	strace $0x90000048  }
0xb9: {  	_ =	sfence  }
0xba: {  	s28 =	sld [smem:$0x0];
	_ =	sdelay $0x1  }
0xbb: {  	s29 =	srdreg.scid  }
0xbc: {  	s30 =	sshll.u32 s29, $0xD;
	s31 =	sshrl.u32 s29, $0x2  }
0xbd: {  	s1 =	sand.u32 $0x1, s29;
	s2 =	sand.u32 $0x4000, s30;
	s0 =	sadd.s32 s31, s28  }
0xbe: {  	s1 =	sor.u32 s2, s1;
	s0 =	sshll.u32 s0, $0x11  }
0xbf: {  	s0 =	sor.u32 s0, s1  }
0xc0: {  	s0 =	sadd.s32 $0x8F2B, s0  }
0xc1: {  	[sflag:s0] =	ssyncadd.remote.s32 $0x1  }
0xc2: {  	_ =	sfence.sel $0xFFFF  }
0xc3: {  	[dreg:$0x0] =	wrdreg $0xFFFFFFFF;
	(pc) =	sbr.abs _section_cstart, $3  }
0xc4: {  	[dreg:$0x1] =	wrdreg $0xFFFFFFFF  }
0xc5: {  	_ =	task.clear_ibuf [dreg:s8], $0x2FFFF;
	_ =	strace $0x9FFFFFFF  }
0xc6: {  	(tm) =	ssettm $0x7FFFFFFF  }
0xc7: {  	_ =	shalt  }
tec
execute0_lowered:
.L_overlay_start_1:
0x0: {  	(tag) =	ssettag $0x1  }
0x1: {  	s3 =	rddreg [dreg:$0x0]  }
0x2: {  	s4 =	rddreg [dreg:$0x1]  }
0x3: {  	s5 =	rddreg [dreg:$0x2]  }
0x4: {  	s1 =	rddreg [dreg:$0x3]  }
0x5: {  	s2 =	rddreg [dreg:$0x4];
	s6 =	simm.s32 $0x0  }
0x6: {  	s7 =	stileid.u32;
	[smem:$0x7FF] =	sst s6  }
0x7: {  	s0 =	rddreg [dreg:$0x5];
	s8 =	sshll.u32 s7, $0x7;
	_ =	strace $0x80000047  }
0x8: {  	[tilespmem:s6], [sflag:$0x1] =	stream.linear.gather [hbm4b:s5+s6], $0x3E8, $0x38;
	[tilespmem:$0xD08] =	vst v63  }
0x9: {  	s26 =	simm.s32 $0x400;
	s3 =	sadd.s32 s3, s8  }
0xa: {  	[tilespmem:s26], [sflag:$0x2] =	stream.linear.gather [hbm4b:s3+s6], $0x400, $0x38;
	[tilespmem:$0xD08] =	vst v63  }
0xb: {  	s29 =	simm.s32 $0x800;
	p0 =	sne.s32 s7, $0x0;
	s28 =	sadd.s32 s4, s8  }
0xc: {  	v0 =	vimm.f32 @!p0 $0.0e+00;
	[tilespmem:s29], [sflag:$0x3] =	stream.linear.gather [hbm4b:s28+s6], $0x400, $0x38;
	[tilespmem:$0xD08] =	vst v63  }
0xd: {  	s3 =	simm.s32 @!p0 $0xC80;
	[tilespmem:$0xC80] =	vst @!p0 v0  }
0xe: {  	[spmem:s2] =	stream.linear.scatter @!p0 [tilespmem:s3], [sflag:$0x4], $0x80, $0x38;
	[tilespmem:$0xD08] =	vst v63  }
0xf: {  	s3 =	simm.s32 @!p0 $0x4  }
0x10: {  	_ =	swait.ge @!p0 [sflag:s3], $0x80  }
0x11: {  	[sflag:s3] =	ssyncset.done @!p0 $0x0  }
0x12: {  	[sflag:s3] =	ssyncadd.s32 @!p0 $0xFFFFFF80  }
0x13: {  	s30 =	simm.s32 $0x1;
	[bflag:$0x0] =	sbarrier.arrive $0xFFFF  }
0x14: {  	_ =	swait.ge [sflag:s30], $0x3E8  }
0x15: {  	[sflag:s30] =	ssyncset.done $0x0  }
0x16: {  	[sflag:s30] =	ssyncadd.s32 $0xFFFFFC18  }
0x17: {  	v0 =	vld [tilespmem:$0x3E0];
	_ =	sdelay $0x3  }
0x18: {  	vm0 =	vmmov $0xff;
	v3 =	vimm.f32 $-Inf  }
0x19: {  	[tilespmem:$0x3F0] =	vst v3;
	v0 =	vnsel vm0, $0xFF800000, v0  }
0x1a: {  	s31 =	simm.s32 $0x40;
	[tilespmem:$0x3E0] =	vst v0  }
0x1b: {  	v11 =	vld [tilespmem:s31+$0x0]  }
0x1c: {  	v0 =	vld [tilespmem:s31+$0x10]  }
0x1d: {  	v2 =	vld [tilespmem:s31+$0x20]  }
0x1e: {  	v9 =	vld [tilespmem:s31+$0xFFFFFFC0]  }
0x1f: {  	v4 =	vld [tilespmem:s31+$0xFFFFFFD0]  }
0x20: {  	v5 =	vld [tilespmem:s31+$0xFFFFFFE0]  }
0x21: {  	v6 =	vld [tilespmem:s31+$0xFFFFFFF0]  }
0x22: {  	v10 =	vimm.f32 $-Inf;
	v7 =	vimm.f32 $-Inf;
	v8 =	vimm.f32 $-Inf;
	s4 =	simm.s32 $0xC0;
	s3 =	simm.s32 $0x0;
	v1 =	vld [tilespmem:s31+$0x30]  }
.LBB2_1:
0x23: {  	v12 =	vld [tilespmem:s4+$0x0]  }
0x24: {  	v3 =	vmax.f32 v3, v9;
	s3 =	sadd.s32 $0x8, s3;
	v13 =	vld [tilespmem:s4+$0x10]  }
0x25: {  	v3 =	vmax.f32 v3, v11;
	p1 =	slt.u32 s3, $0x38;
	v14 =	vld [tilespmem:s4+$0x20]  }
.Ltmp0:
0x26: {  	v10 =	vmax.f32 v10, v4;
	v5 =	vmax.f32 v7, v5;
	v9 =	vld [tilespmem:s4+$0xFFFFFFC0];
	v6 =	vmax.f32 v8, v6;
	(pc) =	sbr.rel @p1 .LBB2_1-.Ltmp0, $4  }
0x27: {  	v10 =	vmax.f32 v10, v0;
	v7 =	vmax.f32 v5, v2;
	v4 =	vld [tilespmem:s4+$0xFFFFFFD0];
	v8 =	vmax.f32 v6, v1  }
0x28: {  	v5 =	vld [tilespmem:s4+$0xFFFFFFE0];
	v11 =	vmov v12  }
0x29: {  	v6 =	vld [tilespmem:s4+$0xFFFFFFF0];
	v0 =	vmov v13  }
0x2a: {  	v1 =	vld [tilespmem:s4+$0x30];
	s4 =	sadd.s32 $0x80, s4;
	v2 =	vmov v14  }
0x2b: {  	v3 =	vmax.f32 v3, v9  }
0x2c: {  	s3 =	simm.s32 $0x2;
	v9 =	vimm.s32 $0xFEDCBA98;
	v3 =	vmax.f32 v3, v11  }
0x2d: {  	_ =	swait.ge [sflag:s3], $0x400;
	v4 =	vmax.f32 v10, v4;
	v10 =	vimm.s32 $0x76543210;
	v9 =	vunpack.c.l.s4.s8 v9  }
0x2e: {  	[sflag:s3] =	ssyncset.done $0x0;
	v5 =	vmax.f32 v7, v5;
	v7 =	vunpack.c.l.s4.s8 v10;
	v0 =	vmax.f32 v4, v0  }
0x2f: {  	s30 =	simm.s32 $0x3;
	v6 =	vmax.f32 v8, v6;
	[sflag:s3] =	ssyncadd.s32 $0xFFFFFC00;
	v2 =	vmax.f32 v5, v2;
	v4 =	vunpack.c.0.s8.s32 v9  }
0x30: {  	v0 =	vmax.f32 v3, v0;
	_ =	swait.ge [sflag:s30], $0x400;
	v1 =	vmax.f32 v6, v1;
	v3 =	vunpack.c.0.s8.s32 v7  }
0x31: {  	[sflag:s30] =	ssyncset.done $0x0;
	v1 =	vmax.f32 v2, v1;
	v2 =	vand.u32 $0xF, v4;
	v4 =	vimm.s32 $0xBA98FEDC  }
0x32: {  	s31 =	simm.s32 $0x40;
	[sflag:s30] =	ssyncadd.s32 $0xFFFFFC00;
	v2 =	vcombine.low v2, v3;
	v3 =	vunpack.c.l.s4.s8 v4;
	v4 =	vimm.s32 $0x32107654  }
0x33: {  	v0 =	vmax.f32 v0, v1;
	v5 =	vld [tilespmem:s31+$0x0];
	v1 =	vunpack.c.l.s4.s8 v4  }
0x34: {  	v8 =	vimm.s32 $0x54761032;
	v6 =	vimm.s32 $0xDCFE98BA;
	v4 =	vld [tilespmem:s31+$0x10]  }
0x35: {  	v7 =	vld [tilespmem:s31+$0x20];
	v2 =	vperm.xlane v0, v2;
	v3 =	vunpack.c.0.s8.s32 v3;
	v1 =	vunpack.c.0.s8.s32 v1  }
0x36: {  	v8 =	vunpack.c.l.s4.s8 v8;
	v6 =	vunpack.c.l.s4.s8 v6;
	v9 =	vld [tilespmem:s31+$0x30]  }
0x37: {  	v11 =	vimm.s32 $0x67452301;
	v10 =	vld [tilespmem:s31+$0xFFFFFFC0];
	v0 =	vmax.f32 v0, v2;
	v1 =	vcombine.low v1, v3  }
0x38: {  	v12 =	vld [tilespmem:s31+$0xFFFFFFE0];
	v2 =	vunpack.c.0.s8.s32 v6;
	v6 =	vunpack.c.0.s8.s32 v8;
	v8 =	vimm.s32 $0xEFCDAB89  }
0x39: {  	s4 =	simm.s32 $0x840;
	v11 =	vunpack.c.l.s4.s8 v11;
	v13 =	vld [tilespmem:s31+$0xFFFFFFF0];
	v8 =	vunpack.c.l.s4.s8 v8;
	v1 =	vperm.xlane v0, v1  }
0x3a: {  	v2 =	vcombine.low v6, v2;
	v6 =	vld [tilespmem:s4+$0x0]  }
0x3b: {  	v14 =	vld [tilespmem:s4+$0xFFFFFFC0];
	v0 =	vmax.f32 v0, v1;
	v1 =	vunpack.c.0.s8.s32 v8;
	v8 =	vunpack.c.0.s8.s32 v11  }
0x3c: {  	v15 =	vld [tilespmem:s4+$0xFFFFFFF0];
	v2 =	vperm.xlane v0, v2  }
0x3d: {  	v3 =	vld [tilespmem:s31+$0xFFFFFFD0];
	v1 =	vcombine.low v8, v1  }
0x3e: {  	v11 =	vld [tilespmem:s4+$0x10];
	v0 =	vmax.f32 v0, v2  }
0x3f: {  	v8 =	vld [tilespmem:s4+$0xFFFFFFD0];
	v1 =	vperm.xlane v0, v1  }
0x40: {  	v16 =	vld [tilespmem:s4+$0x20]  }
0x41: {  	s3 =	simm.s32 $0x0;
	v2 =	vld [tilespmem:s4+$0xFFFFFFE0];
	v0 =	vmax.f32 v0, v1  }
0x42: {  	s5 =	simm.s32 $0xC0;
	v6 =	vld.idx.msk [tilespmem:v6+s3+$0x0], $0xffff;
	v5 =	vsub.f32 v5, v0  }
0x43: {  	v28 =	vld [tilespmem:s5+$0xFFFFFFF0];
	v4 =	vsub.f32 v4, v0;
	v7 =	vsub.f32 v7, v0  }
0x44: {  	v14 =	vld.idx.msk [tilespmem:v14+s3+$0x0], $0xffff;
	v3 =	vsub.f32 v3, v0;
	v5 =	vmul.f32 $1.442695020e+00, v5  }
0x45: {  	v1 =	vld [tilespmem:s4+$0x30];
	v9 =	vsub.f32 v9, v0;
	v4 =	vmul.f32 $1.442695020e+00, v4;
	v7 =	vmul.f32 $1.442695020e+00, v7  }
0x46: {  	v10 =	vsub.f32 v10, v0;
	v11 =	vld.idx.msk [tilespmem:v11+s3+$0x0], $0xffff;
	v3 =	vmul.f32 $1.442695020e+00, v3;
	(erf) = vpow2.f32 v5  }
0x47: {  	s4 =	simm.s32 $0x440;
	v8 =	vld.idx.msk [tilespmem:v8+s3+$0x0], $0xffff;
	v6 =	vsub.f32 v6, v0;
	v5 =	vmul.f32 $1.442695020e+00, v9;
	(erf) = vpow2.f32 v4  }
0x48: {  	v17 =	vld [tilespmem:s4+$0x10];
	v9 =	vmul.f32 $1.442695020e+00, v10;
	v10 =	vsub.f32 v12, v0;
	(erf) = vpow2.f32 v7  }
0x49: {  	v2 =	vld.idx.msk [tilespmem:v2+s3+$0x0], $0xffff;
	v6 =	vmul.f32 $1.442695020e+00, v6;
	(erf) = vpow2.f32 v5  }
0x4a: {  	v19 =	vld [tilespmem:s4+$0xFFFFFFD0];
	v12 =	vsub.f32 v13, v0;
	v5 =	vmul.f32 $1.442695020e+00, v10;
	(erf) = vpow2.f32 v9  }
0x4b: {  	v4 =	vld.idx.msk [tilespmem:v15+s3+$0x0], $0xffff;
	v11 =	vsub.f32 v11, v0;
	(erf) = vpow2.f32 v3;
	v3 =	vsub.f32 v14, v0  }
0x4c: {  	v7 =	vld.idx.msk [tilespmem:v16+s3+$0x0], $0xffff;
	v10 =	vmul.f32 $1.442695020e+00, v12;
	(erf) = vpow2.f32 v5;
	v5 =	vsub.f32 v8, v0  }
0x4d: {  	v21 =	vld [tilespmem:s4+$0xFFFFFFE0];
	v8 =	vmul.f32 $1.442695020e+00, v11;
	v3 =	vmul.f32 $1.442695020e+00, v3  }
0x4e: {  	v22 =	vld [tilespmem:s4+$0xFFFFFFF0];
	v2 =	vsub.f32 v2, v0;
	(erf) = vpow2.f32 v10;
	v5 =	vmul.f32 $1.442695020e+00, v5  }
0x4f: {  	v1 =	vld.idx.msk [tilespmem:v1+s3+$0x0], $0xffff;
	(erf) = vpow2.f32 v6  }
0x50: {  	v24 =	vld [tilespmem:s4+$0x20];
	v4 =	vsub.f32 v4, v0;
	v2 =	vmul.f32 $1.442695020e+00, v2;
	v6 =	vpop (erf);
	(erf) = vpow2.f32 v8  }
0x51: {  	v26 =	vld [tilespmem:s4+$0x30];
	v7 =	vsub.f32 v7, v0;
	(erf) = vpow2.f32 v3;
	v3 =	vpop (erf)  }
0x52: {  	v13 =	vld [tilespmem:s5+$0x20];
	v4 =	vmul.f32 $1.442695020e+00, v4;
	(erf) = vpow2.f32 v5;
	v5 =	vpop (erf)  }
0x53: {  	v15 =	vld [tilespmem:s5+$0xFFFFFFE0];
	v7 =	vmul.f32 $1.442695020e+00, v7;
	(erf) = vpow2.f32 v2;
	v16 =	vpop (erf)  }
0x54: {  	v12 =	vld [tilespmem:s5+$0x10];
	v1 =	vsub.f32 v1, v0;
	(erf) = vpow2.f32 v4;
	v2 =	vpop (erf)  }
0x55: {  	v9 =	vld [tilespmem:s5+$0x0];
	v18 =	vpop (erf)  }
0x56: {  	v1 =	vmul.f32 $1.442695020e+00, v1;
	v4 =	vld [tilespmem:s4+$0xFFFFFFC0];
	v20 =	vpop (erf)  }
0x57: {  	v14 =	vld [tilespmem:s5+$0xFFFFFFD0];
	(erf) = vpow2.f32 v7;
	v7 =	vpop (erf)  }
0x58: {  	v11 =	vld [tilespmem:s5+$0xFFFFFFC0];
	v23 =	vpop (erf)  }
0x59: {  	v10 =	vld [tilespmem:s5+$0x30];
	s5 =	simm.s32 $0x8C0;
	v25 =	vpop (erf)  }
0x5a: {  	v27 =	vimm.f32 $0.0e+00;
	v30 =	vld [tilespmem:s5+$0x0];
	(erf) = vpow2.f32 v1;
	v1 =	vpop (erf)  }
0x5b: {  	v8 =	vld [tilespmem:s4+$0x0];
	v2 =	vadd.f32 v2, v27;
	v18 =	vadd.f32 v18, v27;
	v29 =	vmul.f32 v1, v4;
	v1 =	vpop (erf)  }
0x5c: {  	v7 =	vadd.f32 v7, v27;
	v4 =	vadd.f32 v20, v27;
	v20 =	vld [tilespmem:s5+$0x10];
	v19 =	vmul.f32 v1, v19;
	v1 =	vpop (erf)  }
0x5d: {  	v21 =	vmul.f32 v1, v21;
	v1 =	vadd.f32 v6, v2;
	v2 =	vadd.f32 v3, v18;
	v3 =	vpop (erf);
	v18 =	vld [tilespmem:s5+$0xFFFFFFC0]  }
0x5e: {  	v6 =	vmul.f32 v3, v22;
	v3 =	vadd.f32 v5, v4;
	v4 =	vadd.f32 v16, v7;
	v16 =	vld [tilespmem:s5+$0xFFFFFFD0]  }
0x5f: {  	v13 =	vsub.f32 v13, v0;
	v60 =	vld [tilespmem:s5+$0x20];
	v9 =	vsub.f32 v9, v0;
	v17 =	vmul.f32 v25, v17  }
0x60: {  	v5 =	vmul.f32 v23, v8;
	v7 =	vadd.f32 v29, v27;
	v8 =	vadd.f32 v19, v27;
	v19 =	vld [tilespmem:s5+$0xFFFFFFE0]  }
0x61: {  	v13 =	vmul.f32 $1.442695020e+00, v13;
	v58 =	vld [tilespmem:s5+$0xFFFFFFF0];
	v12 =	vsub.f32 v12, v0;
	v11 =	vsub.f32 v11, v0  }
0x62: {  	v61 =	vld [tilespmem:s5+$0x30];
	v5 =	vadd.f32 v5, v7;
	v7 =	vadd.f32 v17, v8;
	v17 =	vmul.f32 $1.442695020e+00, v9  }
0x63: {  	v12 =	vmul.f32 $1.442695020e+00, v12;
	v63 =	vsub.f32 v10, v0;
	v62 =	vld.idx.msk [tilespmem:v30+s3+$0x0], $0xffff;
	v56 =	vpop (erf);
	v21 =	vadd.f32 v21, v27  }
0x64: {  	v59 =	vpop (erf);
	v57 =	vadd.f32 v6, v27;
	v6 =	vmul.f32 v56, v24;
	(erf) = vpow2.f32 v17;
	v20 =	vld.idx.msk [tilespmem:v20+s3+$0x0], $0xffff  }
0x65: {  	v22 =	vmul.f32 v59, v26;
	(erf) = vpow2.f32 v12;
	v12 =	vsub.f32 v15, v0;
	v9 =	vld.idx.msk [tilespmem:v18+s3+$0x0], $0xffff  }
0x66: {  	v14 =	vsub.f32 v14, v0;
	(erf) = vpow2.f32 v13;
	v10 =	vld.idx.msk [tilespmem:v16+s3+$0x0], $0xffff;
	v16 =	vmul.f32 $1.442695020e+00, v63  }
0x67: {  	v6 =	vadd.f32 v6, v21;
	v18 =	vmul.f32 $1.442695020e+00, v11;
	v15 =	vmul.f32 $1.442695020e+00, v12;
	v12 =	vld.idx.msk [tilespmem:v60+s3+$0x0], $0xffff  }
0x68: {  	v13 =	vsub.f32 v28, v0;
	v11 =	vld.idx.msk [tilespmem:v19+s3+$0x0], $0xffff;
	v19 =	vmul.f32 $1.442695020e+00, v14;
	(erf) = vpow2.f32 v16  }
0x69: {  	v8 =	vadd.f32 v22, v57;
	v17 =	vsub.f32 v62, v0;
	v14 =	vld.idx.msk [tilespmem:v58+s3+$0x0], $0xffff;
	(erf) = vpow2.f32 v18  }
0x6a: {  	s6 =	simm.s32 $0x8;
	s7 =	simm.s32 $0x140;
	v16 =	vmul.f32 $1.442695020e+00, v13;
	v13 =	vld.idx.msk [tilespmem:v61+s3+$0x0], $0xffff;
	v18 =	vsub.f32 v20, v0;
	(erf) = vpow2.f32 v19  }
.LBB2_3:
0x6b: {  	v19 =	vld [tilespmem:s7+$0x0];
	v9 =	vsub.f32 v9, v0;
	v17 =	vmul.f32 $1.442695020e+00, v17;
	(erf) = vpow2.f32 v15  }
0x6c: {  	v10 =	vsub.f32 v10, v0;
	v15 =	vld [tilespmem:s7+$0x10];
	v18 =	vmul.f32 $1.442695020e+00, v18;
	(erf) = vpow2.f32 v16  }
0x6d: {  	v11 =	vsub.f32 v11, v0;
	v16 =	vld [tilespmem:s7+$0x20];
	v21 =	vmul.f32 $1.442695020e+00, v9;
	(erf) = vpow2.f32 v17  }
0x6e: {  	v22 =	vmul.f32 $1.442695020e+00, v10;
	v14 =	vsub.f32 v14, v0;
	v17 =	vld [tilespmem:s7+$0x30];
	v20 =	vpop (erf);
	(erf) = vpow2.f32 v18  }
0x6f: {  	v23 =	vmul.f32 $1.442695020e+00, v11;
	v12 =	vsub.f32 v12, v0;
	v18 =	vld [tilespmem:s7+$0xFFFFFFC0];
	(erf) = vpow2.f32 v21;
	v9 =	vpop (erf)  }
0x70: {  	v14 =	vmul.f32 $1.442695020e+00, v14;
	v13 =	vsub.f32 v13, v0;
	v21 =	vld [tilespmem:s7+$0xFFFFFFD0];
	(erf) = vpow2.f32 v22;
	v10 =	vpop (erf)  }
0x71: {  	s4 =	sadd.s32 $0x80, s4;
	v12 =	vmul.f32 $1.442695020e+00, v12;
	v22 =	vld [tilespmem:s7+$0xFFFFFFE0];
	(erf) = vpow2.f32 v23;
	v11 =	vpop (erf)  }
0x72: {  	v13 =	vmul.f32 $1.442695020e+00, v13;
	v23 =	vld [tilespmem:s4+$0x0];
	v24 =	vpop (erf);
	(erf) = vpow2.f32 v14  }
0x73: {  	v14 =	vld [tilespmem:s4+$0x10];
	v25 =	vpop (erf);
	(erf) = vpow2.f32 v12  }
0x74: {  	v12 =	vld [tilespmem:s4+$0xFFFFFFC0];
	v26 =	vpop (erf);
	(erf) = vpow2.f32 v13  }
0x75: {  	v13 =	vld [tilespmem:s4+$0xFFFFFFD0];
	v27 =	vpop (erf)  }
0x76: {  	v28 =	vld [tilespmem:s4+$0xFFFFFFE0];
	v29 =	vpop (erf)  }
0x77: {  	v30 =	vld [tilespmem:s4+$0xFFFFFFF0];
	v31 =	vpop (erf)  }
0x78: {  	v23 =	vmul.f32 v29, v23;
	v14 =	vmul.f32 v31, v14;
	v29 =	vld [tilespmem:s4+$0x20];
	v31 =	vpop (erf)  }
0x79: {  	v1 =	vadd.f32 v24, v1;
	v2 =	vadd.f32 v25, v2;
	v12 =	vmul.f32 v31, v12;
	v24 =	vld [tilespmem:s4+$0x30];
	v25 =	vpop (erf)  }
0x7a: {  	s5 =	sadd.s32 $0x80, s5;
	v3 =	vadd.f32 v26, v3;
	v4 =	vadd.f32 v27, v4;
	v31 =	vld [tilespmem:s7+$0xFFFFFFF0];
	v13 =	vmul.f32 v25, v13;
	v25 =	vpop (erf)  }
0x7b: {  	v1 =	vadd.f32 v20, v1;
	v2 =	vadd.f32 v9, v2;
	v26 =	vld [tilespmem:s5+$0x0];
	v25 =	vmul.f32 v25, v28;
	v9 =	vpop (erf)  }
0x7c: {  	v3 =	vadd.f32 v10, v3;
	v4 =	vadd.f32 v11, v4;
	v20 =	vld [tilespmem:s5+$0x10];
	v9 =	vmul.f32 v9, v30;
	v10 =	vpop (erf)  }
0x7d: {  	v5 =	vadd.f32 v12, v5;
	v7 =	vadd.f32 v13, v7;
	v11 =	vld [tilespmem:s5+$0xFFFFFFC0];
	v10 =	vmul.f32 v10, v29;
	v12 =	vpop (erf)  }
0x7e: {  	v6 =	vadd.f32 v25, v6;
	v13 =	vld [tilespmem:s5+$0xFFFFFFD0];
	v8 =	vadd.f32 v9, v8;
	v9 =	vmul.f32 v12, v24  }
0x7f: {  	v5 =	vadd.f32 v23, v5;
	v7 =	vadd.f32 v14, v7;
	v12 =	vld [tilespmem:s5+$0xFFFFFFE0]  }
0x80: {  	s6 =	sadd.s32 $0x8, s6;
	v6 =	vadd.f32 v10, v6;
	v14 =	vld [tilespmem:s5+$0xFFFFFFF0];
	v8 =	vadd.f32 v9, v8  }
0x81: {  	p1 =	slt.u32 s6, $0x38;
	v9 =	vsub.f32 v19, v0;
	v19 =	vld [tilespmem:s5+$0x20]  }
0x82: {  	v10 =	vsub.f32 v15, v0;
	v23 =	vld [tilespmem:s5+$0x30]  }
0x83: {  	v16 =	vsub.f32 v16, v0;
	v15 =	vmul.f32 $1.442695020e+00, v9;
	v24 =	vld.idx.msk [tilespmem:v26+s3+$0x0], $0xffff  }
0x84: {  	v17 =	vsub.f32 v17, v0;
	v25 =	vmul.f32 $1.442695020e+00, v10;
	v20 =	vld.idx.msk [tilespmem:v20+s3+$0x0], $0xffff  }
0x85: {  	v18 =	vsub.f32 v18, v0;
	v16 =	vmul.f32 $1.442695020e+00, v16;
	v9 =	vld.idx.msk [tilespmem:v11+s3+$0x0], $0xffff;
	(erf) = vpow2.f32 v15  }
.Ltmp1:
0x86: {  	v15 =	vsub.f32 v21, v0;
	v10 =	vld.idx.msk [tilespmem:v13+s3+$0x0], $0xffff;
	v13 =	vmul.f32 $1.442695020e+00, v17;
	(erf) = vpow2.f32 v25;
	(pc) =	sbr.rel @p1 .LBB2_3-.Ltmp1, $4  }
0x87: {  	v18 =	vmul.f32 $1.442695020e+00, v18;
	v17 =	vsub.f32 v22, v0;
	v11 =	vld.idx.msk [tilespmem:v12+s3+$0x0], $0xffff;
	(erf) = vpow2.f32 v16  }
0x88: {  	v21 =	vmul.f32 $1.442695020e+00, v15;
	v16 =	vsub.f32 v31, v0;
	v14 =	vld.idx.msk [tilespmem:v14+s3+$0x0], $0xffff;
	(erf) = vpow2.f32 v13  }
0x89: {  	v15 =	vmul.f32 $1.442695020e+00, v17;
	v17 =	vsub.f32 v24, v0;
	v12 =	vld.idx.msk [tilespmem:v19+s3+$0x0], $0xffff;
	(erf) = vpow2.f32 v18  }
0x8a: {  	s7 =	sadd.s32 $0x80, s7;
	v16 =	vmul.f32 $1.442695020e+00, v16;
	v18 =	vsub.f32 v20, v0;
	v13 =	vld.idx.msk [tilespmem:v23+s3+$0x0], $0xffff;
	(erf) = vpow2.f32 v21  }
0x8b: {  	v9 =	vsub.f32 v9, v0;
	v17 =	vmul.f32 $1.442695020e+00, v17;
	(erf) = vpow2.f32 v15  }
0x8c: {  	v10 =	vsub.f32 v10, v0;
	v55 =	vmul.f32 $1.442695020e+00, v18;
	(erf) = vpow2.f32 v16  }
0x8d: {  	v11 =	vsub.f32 v11, v0;
	v9 =	vmul.f32 $1.442695020e+00, v9;
	(erf) = vpow2.f32 v17  }
0x8e: {  	v10 =	vmul.f32 $1.442695020e+00, v10;
	v14 =	vsub.f32 v14, v0;
	v56 =	vpop (erf);
	(erf) = vpow2.f32 v55  }
0x8f: {  	v11 =	vmul.f32 $1.442695020e+00, v11;
	v12 =	vsub.f32 v12, v0;
	(erf) = vpow2.f32 v9;
	v57 =	vpop (erf)  }
0x90: {  	v14 =	vmul.f32 $1.442695020e+00, v14;
	v58 =	vsub.f32 v13, v0;
	(erf) = vpow2.f32 v10;
	v59 =	vpop (erf)  }
0x91: {  	s3 =	sadd.s32 $0x80, s4;
	v12 =	vmul.f32 $1.442695020e+00, v12;
	(erf) = vpow2.f32 v11;
	v60 =	vpop (erf)  }
0x92: {  	v61 =	vld [tilespmem:s3+$0x0];
	v0 =	vmul.f32 $1.442695020e+00, v58;
	v62 =	vpop (erf);
	(erf) = vpow2.f32 v14  }
0x93: {  	v63 =	vld [tilespmem:s3+$0x10];
	v30 =	vpop (erf);
	(erf) = vpow2.f32 v12  }
0x94: {  	v31 =	vld [tilespmem:s3+$0xFFFFFFC0];
	v32 =	vpop (erf);
	(erf) = vpow2.f32 v0  }
0x95: {  	v33 =	vld [tilespmem:s3+$0xFFFFFFD0];
	v19 =	vpop (erf)  }
0x96: {  	v20 =	vld [tilespmem:s3+$0xFFFFFFE0];
	v21 =	vpop (erf)  }
0x97: {  	v22 =	vld [tilespmem:s3+$0xFFFFFFF0];
	v23 =	vpop (erf)  }
0x98: {  	v24 =	vld [tilespmem:s3+$0x20];
	v25 =	vpop (erf)  }
0x99: {  	v26 =	vld [tilespmem:s3+$0x30];
	v27 =	vpop (erf)  }
0x9a: {  	v13 =	vmul.f32 v21, v61;
	v14 =	vmul.f32 v23, v63;
	v34 =	vpop (erf)  }
0x9b: {  	v12 =	vmul.f32 v25, v31;
	v0 =	vmul.f32 v27, v33;
	v35 =	vpop (erf)  }
0x9c: {  	v20 =	vmul.f32 v34, v20;
	v36 =	vmul.f32 v35, v22;
	v37 =	vpop (erf)  }
0x9d: {  	v5 =	vadd.f32 v12, v5;
	v0 =	vadd.f32 v0, v7;
	v38 =	vmul.f32 v37, v24;
	v39 =	vpop (erf)  }
0x9e: {  	v6 =	vadd.f32 v20, v6;
	v8 =	vadd.f32 v36, v8;
	v12 =	vmul.f32 v39, v26  }
0x9f: {  	v5 =	vadd.f32 v13, v5;
	v0 =	vadd.f32 v14, v0  }
0xa0: {  	v6 =	vadd.f32 v38, v6;
	v40 =	vadd.f32 v12, v8;
	_ =	sdelay $0x1  }
0xa1: {  	v42 =	vlaneseq.u32;
	v0 =	vadd.f32 v0, v5;
	v41 =	vadd.f32 v40, v6;
	_ =	sdelay $0x1  }
0xa2: {  	vm0 =	vmmov $0xffff;
	v47 =	vimm.s32 $0xFEDCBA98;
	v0 =	vadd.f32 v41, v0  }
0xa3: {  	v48 =	vimm.s32 $0x76543210;
	v1 =	vadd.f32 v62, v1;
	v4 =	vadd.f32 v19, v4  }
0xa4: {  	s30 =	simm.s32 $0xC80;
	s31 =	simm.s32 $0x4;
	v50 =	vunpack.c.l.s4.s8 v48;
	v2 =	vadd.f32 v30, v2;
	v3 =	vadd.f32 v32, v3;
	[tilespmem:$0xC80] =	vst v0  }
0xa5: {  	v43 =	vadd.f32 v56, v1;
	v46 =	vadd.f32 v60, v4;
	v4 =	vunpack.c.l.s4.s8 v47;
	[spmem:s2] =	stream.indirect_vreg.scatter.add.f32 [tilespmem:s30], [sflag:$0x4], $0x1, v42, vm0, $0xb8;
	[tilespmem:$0xD08] =	vst v63  }
0xa6: {  	v44 =	vadd.f32 v57, v2;
	v45 =	vadd.f32 v59, v3;
	_ =	swait.ge [sflag:s31], $0x10  }
0xa7: {  	v54 =	vimm.s32 $0xBA98FEDC;
	v52 =	vunpack.c.0.s8.s32 v50;
	v51 =	vunpack.c.0.s8.s32 v4;
	[sflag:s31] =	ssyncset.done $0x0  }
0xa8: {  	v55 =	vimm.s32 $0x32107654;
	v49 =	vadd.f32 v46, v45;
	v0 =	vadd.f32 v44, v43;
	[sflag:s31] =	ssyncadd.s32 $0xFFFFFFF0  }
0xa9: {  	v56 =	vunpack.c.l.s4.s8 v54;
	v57 =	vunpack.c.l.s4.s8 v55;
	v53 =	vand.u32 $0xF, v51;
	[bflag:$0x0] =	sbarrier.arrive $0xFFFF  }
0xaa: {  	v1 =	vcombine.low v53, v52;
	v0 =	vadd.f32 v49, v0;
	_ =	sfence.sel @p0 $0x180000  }
0xab: {  	v2 =	vunpack.c.0.s8.s32 v56;
	v3 =	vunpack.c.0.s8.s32 v57;
	[bflag:$0x0] =	sbarrier.arrive @p0 $0xFFFF  }
0xac: {  	v62 =	vimm.s32 $0x67452301;
	v1 =	vperm.xlane v0, v1;
	_ =	strace @p0 $0x90000047  }
0xad: {  	s3 =	simm.s32 @!p0 $0xC00;
	v59 =	vimm.s32 $0xDCFE98BA;
	v60 =	vimm.s32 $0x54761032;
	v58 =	vcombine.low v3, v2;
	[bflag:$0x2] =	sbarrier.arrive @p0 $0xFFFF  }
0xae: {  	v2 =	vunpack.c.l.s4.s8 v59;
	v4 =	vimm.s32 @!p0 $0xFEDCBA98;
	v0 =	vadd.f32 v1, v0;
	[tilespmem:s3], [sflag:$0x4] =	stream.linear.gather @!p0 [spmem:s2], $0x80, $0x38;
	[tilespmem:$0xD08] =	vst v63  }
0xaf: {  	v3 =	vunpack.c.l.s4.s8 v60;
	v4 =	vunpack.c.l.s4.s8 @!p0 v4;
	v5 =	vimm.s32 @!p0 $0x76543210;
	s2 =	simm.s32 @!p0 $0x4  }
0xb0: {  	v61 =	vimm.s32 $0xEFCDAB89;
	v5 =	vunpack.c.l.s4.s8 @!p0 v5;
	v1 =	vperm.xlane v0, v58;
	_ =	swait.ge @!p0 [sflag:s2], $0x80  }
0xb1: {  	v2 =	vunpack.c.0.s8.s32 v2;
	v3 =	vunpack.c.0.s8.s32 v3;
	v4 =	vunpack.c.0.s8.s32 @!p0 v4;
	[sflag:s2] =	ssyncset.done @!p0 $0x0  }
0xb2: {  	v7 =	vunpack.c.l.s4.s8 v62;
	v0 =	vadd.f32 v1, v0;
	v1 =	vunpack.c.0.s8.s32 @!p0 v5;
	[sflag:s2] =	ssyncadd.s32 @!p0 $0xFFFFFF80  }
0xb3: {  	v2 =	vcombine.low v3, v2;
	v3 =	vunpack.c.l.s4.s8 v61;
	v4 =	vand.u32 @!p0 $0xF, v4;
	v6 =	vld @!p0 [tilespmem:$0xC00]  }
0xb4: {  	v5 =	vimm.s32 @!p0 $0x32107654;
	v1 =	vcombine.low @!p0 v4, v1;
	v4 =	vimm.s32 @!p0 $0xBA98FEDC  }
0xb5: {  	v5 =	vunpack.c.l.s4.s8 @!p0 v5;
	v4 =	vunpack.c.l.s4.s8 @!p0 v4  }
0xb6: {  	v7 =	vunpack.c.0.s8.s32 v7;
	v3 =	vunpack.c.0.s8.s32 v3  }
0xb7: {  	v2 =	vperm.xlane v0, v2;
	v5 =	vunpack.c.0.s8.s32 @!p0 v5;
	v4 =	vunpack.c.0.s8.s32 @!p0 v4  }
0xb8: {  	v1 =	vperm.xlane @!p0 v6, v1  }
0xb9: {  	v63 =	vcombine.low v7, v3;
	v0 =	vadd.f32 v2, v0;
	v4 =	vcombine.low @!p0 v5, v4  }
0xba: {  	v5 =	vimm.s32 @!p0 $0xDCFE98BA;
	v1 =	vadd.f32 @!p0 v1, v6;
	v6 =	vimm.s32 @!p0 $0x54761032  }
0xbb: {  	v5 =	vunpack.c.l.s4.s8 @!p0 v5;
	v6 =	vunpack.c.l.s4.s8 @!p0 v6  }
0xbc: {  	v2 =	vperm.xlane v0, v63;
	v3 =	vperm.xlane @!p0 v1, v4  }
0xbd: {  	v4 =	vunpack.c.0.s8.s32 @!p0 v5;
	v5 =	vunpack.c.0.s8.s32 @!p0 v6  }
0xbe: {  	v0 =	vadd.f32 @!p0 v2, v0;
	v1 =	vadd.f32 @!p0 v3, v1  }
0xbf: {  	v3 =	vcombine.low @!p0 v5, v4;
	v4 =	vimm.s32 @!p0 $0xEFCDAB89;
	v5 =	vimm.s32 @!p0 $0x67452301  }
0xc0: {  	v2 =	vunpack.c.l.s4.s8 @!p0 v4;
	v4 =	vunpack.c.l.s4.s8 @!p0 v5  }
0xc1: {  	(erf) = vrcp.f32 @!p0 v0  }
0xc2: {  	v3 =	vperm.xlane @!p0 v1, v3;
	v2 =	vunpack.c.0.s8.s32 @!p0 v2;
	v4 =	vunpack.c.0.s8.s32 @!p0 v4;
	_ =	sdelay $0x1  }
0xc3: {  	v0 =	vadd.f32 @!p0 v3, v1;
	v1 =	vcombine.low @!p0 v4, v2;
	_ =	sdelay $0x1  }
0xc4: {  	v1 =	vperm.xlane @!p0 v0, v1;
	_ =	sdelay $0x1  }
0xc5: {  	v0 =	vadd.f32 @!p0 v1, v0;
	_ =	sdelay $0x1  }
0xc6: {  	v0 =	vmul.f32 @!p0 $6.103515630e-02, v0  }
0xc7: {  	v1 =	vpop @!p0 (erf)  }
0xc8: {  	v0 =	vmul.f32 @!p0 v0, v1;
	_ =	sdelay $0x1  }
0xc9: {  	s4 =	simm.s32 @!p0 $0xC80;
	s3 =	simm.s32 @!p0 $0x0;
	[tilespmem:$0xC80] =	vst @!p0 v0  }
0xca: {  	[hbm4b:s1+s3] =	stream.linear.scatter @!p0 [tilespmem:s4], [sflag:$0x4], $0x1, $0x38;
	[tilespmem:$0xD08] =	vst v63  }
0xcb: {  	_ =	swait.ge @!p0 [sflag:s2], $0x1  }
0xcc: {  	[sflag:s2] =	ssyncset.done @!p0 $0x0  }
0xcd: {  	[sflag:s2] =	ssyncadd.s32 @!p0 $0xFFFFFFFF  }
0xce: {  	_ =	sfence.sel @!p0 $0x180000  }
0xcf: {  	[bflag:$0x0] =	sbarrier.arrive @!p0 $0xFFFF  }
0xd0: {  	_ =	strace @!p0 $0x90000047  }
0xd1: {  	s0 =	sadd.s32 @!p0 $0x100000, s0;
	[bflag:$0x2] =	sbarrier.arrive @!p0 $0xFFFF  }
0xd2: {  	[sflag:s0] =	ssyncadd.tile.s32 @!p0 $0x1;
	_ =	shalt  }
.Lfunc_end2:
_tile_overlayer_lowered:
.L_overlay_start_2:
0xd3: {  	(tag) =	ssettag $0x2  }
0xd4: {  	s0 =	rddreg [dreg:$0x0];
	s2 =	stileid.u32  }
0xd5: {  	s1 =	rddreg [dreg:$0x1];
	p0 =	sne.s32 s2, $0x0  }
0xd6: {  	s3 =	rddreg [dreg:$0x2];
	[bflag:$0x3] =	sbarrier.arrive $0xFFFF;
	s2 =	simm.s32 @!p0 $0x1C04  }
0xd7: {  	[timem:s3], [sflag:s2] =	dma.local @!p0 [hbm:s0], s1  }
0xd8: {  	s0 =	simm.s32 @!p0 $0x4  }
0xd9: {  	_ =	swait.ge @!p0 [sflag:s0], s1  }
0xda: {  	s1 =	ssub.s32 @!p0 $0x0, s1;
	[sflag:s0] =	ssyncset.done @!p0 $0x0  }
0xdb: {  	[sflag:s0] =	ssyncadd.s32 @!p0 s1  }
0xdc: {  	[bflag:$0x3] =	sbarrier.arrive $0xFFFF  }
0xdd: {  	_ =	shalt  }

</sc_bundles>
